<compile_context>
chip_gen: v7x
topology: tpu7x:2x2x1
jax: 0.10.2.dev20260603
libtpu: 0.0.44.dev20260713+nightly
codegen_flags: <defaults>
</compile_context>

<pallas_src>
import jax
import jax.numpy as jnp
from jax import lax
from jax.experimental import pallas as pl
from jax.experimental.pallas import tpu as pltpu
from jax.experimental.pallas import tpu_sc as plsc

N_NODES = 10000
N_EDGES = 160000
N_PAIRS = 170000
F_OUT = 128

CH = 10752
PPAD = 16 * CH
NV = CH // 16
HALF = 50_000_000
LSTRIDE = 16
TROW = (HALF + 16384 + 8) * LSTRIDE
SROWS = 10240


def _keys_for_chunk(src_v, dst_v, key2_v, pval_v, c, s, per_pair):
    base = s * CH
    lanes = lax.iota(jnp.int32, 16)
    klo = c * HALF
    khi = klo + HALF

    def body(i, acc):
        sv = src_v[pl.ds(i * 16, 16)]
        dv = dst_v[pl.ds(i * 16, 16)]
        pv = base + i * 16 + lanes
        valid = pv < N_PAIRS
        key = sv * N_NODES + dv
        own = valid & (key >= klo) & (key < khi)
        kdummy = HALF + (pv & 16383)
        key2_v[pl.ds(i * 16, 16)] = (
            jnp.where(own, key - klo, kdummy) * LSTRIDE)
        pval_v[pl.ds(i * 16, 16)] = pv
        return per_pair(i, acc, sv, dv, pv, valid)

    zero16 = jnp.zeros((16,), jnp.float32)
    return lax.fori_loop(0, NV, body, zero16)


def _sc_scat_body(src_hbm, dst_hbm,
                  t0_hbm, t1_hbm,
                  src_v, dst_v, key2_v, pval_v, sem):
    c = lax.axis_index("c")
    s = lax.axis_index("s")
    base = s * CH
    pltpu.sync_copy(src_hbm.at[pl.ds(base, CH)], src_v)
    pltpu.sync_copy(dst_hbm.at[pl.ds(base, CH)], dst_v)

    def per_pair(i, acc, sv, dv, pv, valid):
        return acc
    _keys_for_chunk(src_v, dst_v, key2_v, pval_v, c, s, per_pair)

    @pl.when(c == 0)
    def _():
        pltpu.async_copy(pval_v, t0_hbm.at[key2_v], sem).wait()

    @pl.when(c == 1)
    def _():
        pltpu.async_copy(pval_v, t1_hbm.at[key2_v], sem).wait()


def _sc_acc_body(nodes_hbm, src_hbm, dst_hbm, wa_hbm, t0_hbm, t1_hbm,
                 s32_hbm, ps_hbm,
                 nodes_v, src_v, dst_v, key2_v, pval_v, e_v, t_v, s_local,
                 wa_v, row_v, sem):
    c = lax.axis_index("c")
    s = lax.axis_index("s")
    base = s * CH

    pltpu.sync_copy(nodes_hbm, nodes_v)
    pltpu.sync_copy(wa_hbm, wa_v)
    pltpu.sync_copy(src_hbm.at[pl.ds(base, CH)], src_v)
    pltpu.sync_copy(dst_hbm.at[pl.ds(base, CH)], dst_v)

    def dot_body(i, carry):
        a1v, a2v = carry
        w = wa_v[pl.ds(i * 16, 16)]
        return (a1v + w * wa_v[pl.ds(128 + i * 16, 16)],
                a2v + w * wa_v[pl.ds(256 + i * 16, 16)])
    zero16 = jnp.zeros((16,), jnp.float32)
    acc1, acc2 = lax.fori_loop(0, 8, dot_body, (zero16, zero16))
    c1 = jnp.sum(acc1, axis=0)
    c2 = jnp.sum(acc2, axis=0)

    def per_pair(i, acc, sv, dv, pv, valid):
        ns = plsc.load_gather(nodes_v, [sv])
        nd = plsc.load_gather(nodes_v, [dv])
        z = c1 * ns + c2 * nd
        z = jnp.maximum(z, z * jnp.float32(0.01))
        e = jnp.where(valid, jnp.exp(z), jnp.float32(0.0))
        e_v[pl.ds(i * 16, 16)] = e
        return acc + e
    acc_e = _keys_for_chunk(src_v, dst_v, key2_v, pval_v, c, s, per_pair)

    row_v[pl.ds(0, 16)] = acc_e
    pltpu.sync_copy(row_v, ps_hbm.at[c * 16 + s])

    @pl.when(c == 0)
    def _():
        pltpu.async_copy(t0_hbm.at[key2_v], t_v, sem).wait()

    @pl.when(c == 1)
    def _():
        pltpu.async_copy(t1_hbm.at[key2_v], t_v, sem).wait()

    def zero_body(k, _):
        s_local[pl.ds(k * 16, 16)] = zero16
        return 0
    lax.fori_loop(0, SROWS // 16, zero_body, 0)

    def acc_body(i, _):
        kv = key2_v[pl.ds(i * 16, 16)]
        pv = pval_v[pl.ds(i * 16, 16)]
        tv = t_v[pl.ds(i * 16, 16)]
        m = (kv < HALF * LSTRIDE) & (tv == pv)
        dv = dst_v[pl.ds(i * 16, 16)]
        sv = src_v[pl.ds(i * 16, 16)]
        w = e_v[pl.ds(i * 16, 16)] * plsc.load_gather(nodes_v, [dv])
        plsc.addupdate_scatter(s_local, [sv], w, mask=m)
        return 0
    lax.fori_loop(0, NV, acc_body, 0)

    pltpu.sync_copy(s_local, s32_hbm.at[c * 16 + s])


def _tc_body(s32_ref, ps_ref, w_ref, o_ref):
    denom = jnp.sum(ps_ref[:16, :])
    ssum = jnp.sum(s32_ref[...], axis=0, keepdims=True)
    ssum = ssum[:, :N_NODES] * (jnp.float32(1.0) / denom)
    out = lax.dot_general(ssum, w_ref[...], (((0,), (0,)), ((), ())),
                          preferred_element_type=jnp.float32)
    o_ref[0] = jnp.where(out > 0, out, out * jnp.float32(0.01))


@jax.jit
def kernel(x, src, dst, W_node, a):
    nodes = x[0, N_EDGES:]
    srcp = jnp.pad(src.astype(jnp.int32), (0, PPAD - N_PAIRS))
    dstp = jnp.pad(dst.astype(jnp.int32), (0, PPAD - N_PAIRS))
    wa = jnp.concatenate([W_node[0], a[:F_OUT, 0], a[F_OUT:, 0]])

    mesh = plsc.VectorSubcoreMesh(core_axis_name="c", subcore_axis_name="s",
                                  num_cores=2, num_subcores=16)
    params = pltpu.CompilerParams(needs_layout_passes=False)

    t0, t1 = pl.kernel(
        _sc_scat_body,
        mesh=mesh,
        compiler_params=params,
        out_type=[
            jax.ShapeDtypeStruct((TROW,), jnp.int32),
            jax.ShapeDtypeStruct((TROW,), jnp.int32),
        ],
        scratch_types=[
            pltpu.VMEM((CH,), jnp.int32),
            pltpu.VMEM((CH,), jnp.int32),
            pltpu.VMEM((CH,), jnp.int32),
            pltpu.VMEM((CH,), jnp.int32),
            pltpu.SemaphoreType.DMA,
        ],
    )(srcp, dstp)

    s32, ps = pl.kernel(
        _sc_acc_body,
        mesh=mesh,
        compiler_params=params,
        out_type=[
            jax.ShapeDtypeStruct((32, SROWS), jnp.float32),
            jax.ShapeDtypeStruct((32, 16), jnp.float32),
        ],
        scratch_types=[
            pltpu.VMEM((N_NODES,), jnp.float32),
            pltpu.VMEM((CH,), jnp.int32),
            pltpu.VMEM((CH,), jnp.int32),
            pltpu.VMEM((CH,), jnp.int32),
            pltpu.VMEM((CH,), jnp.int32),
            pltpu.VMEM((CH,), jnp.float32),
            pltpu.VMEM((CH,), jnp.int32),
            pltpu.VMEM((SROWS,), jnp.float32),
            pltpu.VMEM((384,), jnp.float32),
            pltpu.VMEM((16,), jnp.float32),
            pltpu.SemaphoreType.DMA,
        ],
    )(nodes, srcp, dstp, wa, t0, t1)

    out = pl.pallas_call(
        _tc_body,
        out_shape=jax.ShapeDtypeStruct((1, N_NODES, F_OUT), jnp.float32),
    )(s32, ps, W_node)
    return out

# --- scband reference (transcript-rebuilt; emitter-appended) ---
"""Pipeline reference for scband-graph-attention-30245159699049 (READ-ONLY COPY).

The authoritative reference and input builder live on the scoring server;
editing this copy changes nothing except your own understanding.
"""

import jax, jax.numpy as jnp
import numpy as np

N_NODES = 10000
N_EDGES = 160000
N_PAIRS = N_EDGES + N_NODES  # adjacency edges + self loops from +eye
F_OUT = 128


def setup_inputs(seed: int = 0) -> dict:
    key = jax.random.key(seed)
    k1, k2, k3, k4, k5 = jax.random.split(key, 5)
    # forward input: [B, num_edges + num_nodes]; first num_edges cols are (unused) edge feats
    x = jax.random.normal(k1, (1, N_EDGES + N_NODES), dtype=jnp.float32)
    # node_pair_idx derived from torch.where(adj + eye == 1) in the original __init__;
    # here materialized directly as src/dst index arrays (constants w.r.t. forward)
    src = jax.random.randint(k2, (N_PAIRS,), 0, N_NODES, dtype=jnp.int64)
    dst = jax.random.randint(k3, (N_PAIRS,), 0, N_NODES, dtype=jnp.int64)
    # learned parameters (W_edge is never used in forward, so omitted)
    W_node = jax.random.normal(k4, (1, F_OUT), dtype=jnp.float32) * 0.1
    a = jax.random.normal(k5, (2 * F_OUT, 1), dtype=jnp.float32) * 0.1
    return {"x": x, "src": src, "dst": dst, "W_node": W_node, "a": a}


def reference(x, src, dst, W_node, a):
    # edges = x[:, :N_EDGES] is sliced but unused in the original forward
    nodes = x[:, N_EDGES:][..., None]                  # [B, N, 1]
    h = jnp.matmul(nodes, W_node)                      # [B, N, F]
    h_src = h[:, src]                                  # gather: [B, P, F]
    h_dst = h[:, dst]                                  # gather: [B, P, F]
    alpha = jnp.concatenate((h_src, h_dst), axis=2)    # [B, P, 2F]
    alpha = jnp.matmul(alpha, a)[..., 0]               # [B, P]
    alpha = jax.nn.leaky_relu(alpha, 0.01)
    alpha = jax.nn.softmax(alpha, axis=1)              # softmax over all pairs
    adj = jnp.zeros((x.shape[0], N_NODES, N_NODES), dtype=x.dtype)
    adj = adj.at[:, src, dst].set(alpha)               # scatter-overwrite
    h_prime = jnp.matmul(adj, h)                       # [B, N, F]
    return jax.nn.leaky_relu(h_prime, 0.01)

if __name__ == "__main__":
    import jax
    _d = setup_inputs()
    print(jax.jit(kernel)(*tuple(_d.values())))

</pallas_src>

<mosaic_0001>
#map = affine_map<(d0, d1) -> (0)>
#map1 = affine_map<(d0, d1) -> (0, 0)>
module attributes {stable_mosaic.version = 14 : i64} {
  func.func @_sc_acc_body(%arg0: i32, %arg1: i32, %arg2: memref<10000xf32, #tpu.memory_space<hbm>>, %arg3: memref<172032xi32, #tpu.memory_space<hbm>>, %arg4: memref<172032xi32, #tpu.memory_space<hbm>>, %arg5: memref<384xf32, #tpu.memory_space<hbm>>, %arg6: memref<800262272xi32, #tpu.memory_space<hbm>>, %arg7: memref<800262272xi32, #tpu.memory_space<hbm>>, %arg8: memref<32x10240xf32, #tpu.memory_space<hbm>>, %arg9: memref<32x16xf32, #tpu.memory_space<hbm>>, %arg10: memref<10000xf32, #tpu.memory_space<vmem>>, %arg11: memref<10752xi32, #tpu.memory_space<vmem>>, %arg12: memref<10752xi32, #tpu.memory_space<vmem>>, %arg13: memref<10752xi32, #tpu.memory_space<vmem>>, %arg14: memref<10752xi32, #tpu.memory_space<vmem>>, %arg15: memref<10752xf32, #tpu.memory_space<vmem>>, %arg16: memref<10752xi32, #tpu.memory_space<vmem>>, %arg17: memref<10240xf32, #tpu.memory_space<vmem>>, %arg18: memref<384xf32, #tpu.memory_space<vmem>>, %arg19: memref<16xf32, #tpu.memory_space<vmem>>, %arg20: memref<!tpu.dma_semaphore, #tpu.memory_space<semaphore_mem>>) attributes {dimension_semantics = [#tpu.dimension_semantics<core_parallel>, #tpu.dimension_semantics<subcore_parallel>], iteration_bounds = array<i64: 2, 16>, scalar_prefetch = 0 : i64, scratch_operands = 11 : i64, tpu.core_type = #tpu.core_type<sc_vector_subcore>, window_params = [{transform_indices = #map}, {transform_indices = #map}, {transform_indices = #map}, {transform_indices = #map}, {transform_indices = #map}, {transform_indices = #map}, {transform_indices = #map1}, {transform_indices = #map1}]} {
    %mul3A = arith.constant 10752 : i32
    %mul3A_0 = arith.muli %arg1, %mul3A : i32
    "tpu.region"() ({
      %run_scoped3A = tpu.sem_alloc : memref<!tpu.dma_semaphore, #tpu.memory_space<semaphore_mem>>
      tpu.enqueue_dma source(%arg2 : memref<10000xf32, #tpu.memory_space<hbm>>) target(%arg10 : memref<10000xf32, #tpu.memory_space<vmem>>) target_semaphore(%run_scoped3A : memref<!tpu.dma_semaphore, #tpu.memory_space<semaphore_mem>>)
      tpu.wait_dma2 semaphore(%run_scoped3A : memref<!tpu.dma_semaphore, #tpu.memory_space<semaphore_mem>>) src(%arg2 : memref<10000xf32, #tpu.memory_space<hbm>>) dst(%arg10 : memref<10000xf32, #tpu.memory_space<vmem>>)
      tpu.yield
    }) : () -> ()
    "tpu.region"() ({
      %run_scoped3A = tpu.sem_alloc : memref<!tpu.dma_semaphore, #tpu.memory_space<semaphore_mem>>
      tpu.enqueue_dma source(%arg5 : memref<384xf32, #tpu.memory_space<hbm>>) target(%arg18 : memref<384xf32, #tpu.memory_space<vmem>>) target_semaphore(%run_scoped3A : memref<!tpu.dma_semaphore, #tpu.memory_space<semaphore_mem>>)
      tpu.wait_dma2 semaphore(%run_scoped3A : memref<!tpu.dma_semaphore, #tpu.memory_space<semaphore_mem>>) src(%arg5 : memref<384xf32, #tpu.memory_space<hbm>>) dst(%arg18 : memref<384xf32, #tpu.memory_space<vmem>>)
      tpu.yield
    }) : () -> ()
    "tpu.region"() ({
      %run_scoped3A = tpu.sem_alloc : memref<!tpu.dma_semaphore, #tpu.memory_space<semaphore_mem>>
      %dma_start3A = tpu.memref_slice %arg3[%mul3A_0] : memref<172032xi32, #tpu.memory_space<hbm>> -> memref<10752xi32, #tpu.memory_space<hbm>>
      %dma_start3A_55 = tpu.memref_slice %arg3[%mul3A_0] : memref<172032xi32, #tpu.memory_space<hbm>> -> memref<10752xi32, #tpu.memory_space<hbm>>
      tpu.enqueue_dma source(%dma_start3A_55 : memref<10752xi32, #tpu.memory_space<hbm>>) target(%arg11 : memref<10752xi32, #tpu.memory_space<vmem>>) target_semaphore(%run_scoped3A : memref<!tpu.dma_semaphore, #tpu.memory_space<semaphore_mem>>)
      %dma_wait3A = tpu.memref_slice %arg3[%mul3A_0] : memref<172032xi32, #tpu.memory_space<hbm>> -> memref<10752xi32, #tpu.memory_space<hbm>>
      %dma_wait3A_56 = tpu.memref_slice %arg3[%mul3A_0] : memref<172032xi32, #tpu.memory_space<hbm>> -> memref<10752xi32, #tpu.memory_space<hbm>>
      tpu.wait_dma2 semaphore(%run_scoped3A : memref<!tpu.dma_semaphore, #tpu.memory_space<semaphore_mem>>) src(%dma_wait3A_56 : memref<10752xi32, #tpu.memory_space<hbm>>) dst(%arg11 : memref<10752xi32, #tpu.memory_space<vmem>>)
      tpu.yield
    }) : () -> ()
    "tpu.region"() ({
      %run_scoped3A = tpu.sem_alloc : memref<!tpu.dma_semaphore, #tpu.memory_space<semaphore_mem>>
      %dma_start3A = tpu.memref_slice %arg4[%mul3A_0] : memref<172032xi32, #tpu.memory_space<hbm>> -> memref<10752xi32, #tpu.memory_space<hbm>>
      %dma_start3A_55 = tpu.memref_slice %arg4[%mul3A_0] : memref<172032xi32, #tpu.memory_space<hbm>> -> memref<10752xi32, #tpu.memory_space<hbm>>
      tpu.enqueue_dma source(%dma_start3A_55 : memref<10752xi32, #tpu.memory_space<hbm>>) target(%arg12 : memref<10752xi32, #tpu.memory_space<vmem>>) target_semaphore(%run_scoped3A : memref<!tpu.dma_semaphore, #tpu.memory_space<semaphore_mem>>)
      %dma_wait3A = tpu.memref_slice %arg4[%mul3A_0] : memref<172032xi32, #tpu.memory_space<hbm>> -> memref<10752xi32, #tpu.memory_space<hbm>>
      %dma_wait3A_56 = tpu.memref_slice %arg4[%mul3A_0] : memref<172032xi32, #tpu.memory_space<hbm>> -> memref<10752xi32, #tpu.memory_space<hbm>>
      tpu.wait_dma2 semaphore(%run_scoped3A : memref<!tpu.dma_semaphore, #tpu.memory_space<semaphore_mem>>) src(%dma_wait3A_56 : memref<10752xi32, #tpu.memory_space<hbm>>) dst(%arg12 : memref<10752xi32, #tpu.memory_space<vmem>>)
      tpu.yield
    }) : () -> ()
    %broadcast_in_dim3A = arith.constant 0.000000e+00 : f32
    %broadcast_in_dim3A_1 = vector.broadcast %broadcast_in_dim3A : f32 to vector<16xf32>
    %scan3A = arith.constant 0 : i32
    %scan3A_2 = arith.constant 8 : i32
    %scan3A_3 = arith.addi %scan3A, %scan3A_2 : i32
    %scan3A_4 = arith.constant 1 : i32
    %scan3A_5:2 = scf.for %scan3A_55 = %scan3A to %scan3A_3 step %scan3A_4 iter_args(%scan3A_56 = %broadcast_in_dim3A_1, %scan3A_57 = %broadcast_in_dim3A_1) -> (vector<16xf32>, vector<16xf32>)  : i32 {
      %mul3A_58 = arith.constant 16 : i32
      %mul3A_59 = arith.muli %scan3A_55, %mul3A_58 : i32
      %get3A = arith.index_cast %mul3A_59 : i32 to index
      %get3A_60 = tpu.vector_load %arg18[%get3A] {strides = array<i32>} : memref<384xf32, #tpu.memory_space<vmem>>, vector<16xf32>,
      %mul3A_61 = arith.constant 16 : i32
      %mul3A_62 = arith.muli %scan3A_55, %mul3A_61 : i32
      %add3A_63 = arith.constant 128 : i32
      %add3A_64 = arith.addi %add3A_63, %mul3A_62 : i32
      %get3A_65 = arith.index_cast %add3A_64 : i32 to index
      %get3A_66 = tpu.vector_load %arg18[%get3A_65] {strides = array<i32>} : memref<384xf32, #tpu.memory_space<vmem>>, vector<16xf32>,
      %mul3A_67 = arith.mulf %get3A_60, %get3A_66 : vector<16xf32>
      %add3A_68 = arith.addf %scan3A_56, %mul3A_67 : vector<16xf32>
      %mul3A_69 = arith.constant 16 : i32
      %mul3A_70 = arith.muli %scan3A_55, %mul3A_69 : i32
      %add3A_71 = arith.constant 256 : i32
      %add3A_72 = arith.addi %add3A_71, %mul3A_70 : i32
      %get3A_73 = arith.index_cast %add3A_72 : i32 to index
      %get3A_74 = tpu.vector_load %arg18[%get3A_73] {strides = array<i32>} : memref<384xf32, #tpu.memory_space<vmem>>, vector<16xf32>,
      %mul3A_75 = arith.mulf %get3A_60, %get3A_74 : vector<16xf32>
      %add3A_76 = arith.addf %scan3A_57, %mul3A_75 : vector<16xf32>
      scf.yield %add3A_68, %add3A_76 : vector<16xf32>, vector<16xf32>
    }
    %scan3A_6 = arith.constant 8 : i32
    %reduce_sum3A = arith.constant true
    %reduce_sum3A_7 = vector.broadcast %reduce_sum3A : i1 to vector<16xi1>
    %reduce_sum3A_8 = tpu.scan <sum>, %scan3A_5#0 masked %reduce_sum3A_7 : vector<16xf32>, vector<16xi1> -> vector<16xf32>
    %reduce_sum3A_9 = vector.extract %reduce_sum3A_8[15] : f32 from vector<16xf32>
    %reduce_sum3A_10 = arith.constant true
    %reduce_sum3A_11 = vector.broadcast %reduce_sum3A_10 : i1 to vector<16xi1>
    %reduce_sum3A_12 = tpu.scan <sum>, %scan3A_5#1 masked %reduce_sum3A_11 : vector<16xf32>, vector<16xi1> -> vector<16xf32>
    %reduce_sum3A_13 = vector.extract %reduce_sum3A_12[15] : f32 from vector<16xf32>
    %mul3A_14 = arith.constant 10752 : i32
    %mul3A_15 = arith.muli %arg1, %mul3A_14 : i32
    %iota3A = tpu.iota {dimensions = array<i32: 0>} : vector<16xi32>
    %mul3A_16 = arith.constant 50000000 : i32
    %mul3A_17 = arith.muli %arg0, %mul3A_16 : i32
    %add3A = arith.constant 50000000 : i32
    %add3A_18 = arith.addi %mul3A_17, %add3A : i32
    %broadcast_in_dim3A_19 = arith.constant 0.000000e+00 : f32
    %broadcast_in_dim3A_20 = vector.broadcast %broadcast_in_dim3A_19 : f32 to vector<16xf32>
    %scan3A_21 = arith.constant 0 : i32
    %scan3A_22 = arith.constant 672 : i32
    %scan3A_23 = arith.addi %scan3A_21, %scan3A_22 : i32
    %scan3A_24 = arith.constant 1 : i32
    %scan3A_25 = scf.for %scan3A_55 = %scan3A_21 to %scan3A_23 step %scan3A_24 iter_args(%scan3A_56 = %broadcast_in_dim3A_20) -> (vector<16xf32>)  : i32 {
      %mul3A_57 = arith.constant 16 : i32
      %mul3A_58 = arith.muli %scan3A_55, %mul3A_57 : i32
      %get3A = arith.index_cast %mul3A_58 : i32 to index
      %get3A_59 = tpu.vector_load %arg11[%get3A] {strides = array<i32>} : memref<10752xi32, #tpu.memory_space<vmem>>, vector<16xi32>,
      %mul3A_60 = arith.constant 16 : i32
      %mul3A_61 = arith.muli %scan3A_55, %mul3A_60 : i32
      %get3A_62 = arith.index_cast %mul3A_61 : i32 to index
      %get3A_63 = tpu.vector_load %arg12[%get3A_62] {strides = array<i32>} : memref<10752xi32, #tpu.memory_space<vmem>>, vector<16xi32>,
      %mul3A_64 = arith.constant 16 : i32
      %mul3A_65 = arith.muli %scan3A_55, %mul3A_64 : i32
      %add3A_66 = arith.addi %mul3A_15, %mul3A_65 : i32
      %add3A_67 = vector.broadcast %add3A_66 : i32 to vector<16xi32>
      %add3A_68 = arith.addi %add3A_67, %iota3A : vector<16xi32>
      %lt3A = arith.constant 170000 : i32
      %lt3A_69 = vector.broadcast %lt3A : i32 to vector<16xi32>
      %lt3A_70 = arith.cmpi slt, %add3A_68, %lt3A_69 : vector<16xi32>
      %mul3A_71 = arith.constant 10000 : i32
      %mul3A_72 = vector.broadcast %mul3A_71 : i32 to vector<16xi32>
      %mul3A_73 = arith.muli %get3A_59, %mul3A_72 : vector<16xi32>
      %add3A_74 = arith.addi %mul3A_73, %get3A_63 : vector<16xi32>
      %ge3A = vector.broadcast %mul3A_17 : i32 to vector<16xi32>
      %ge3A_75 = arith.cmpi sge, %add3A_74, %ge3A : vector<16xi32>
      %and3A = arith.andi %lt3A_70, %ge3A_75 : vector<16xi1>
      %lt3A_76 = vector.broadcast %add3A_18 : i32 to vector<16xi32>
      %lt3A_77 = arith.cmpi slt, %add3A_74, %lt3A_76 : vector<16xi32>
      %and3A_78 = arith.andi %and3A, %lt3A_77 : vector<16xi1>
      %and3A_79 = arith.constant 16383 : i32
      %and3A_80 = vector.broadcast %and3A_79 : i32 to vector<16xi32>
      %and3A_81 = arith.andi %add3A_68, %and3A_80 : vector<16xi32>
      %add3A_82 = arith.constant 50000000 : i32
      %add3A_83 = vector.broadcast %add3A_82 : i32 to vector<16xi32>
      %add3A_84 = arith.addi %add3A_83, %and3A_81 : vector<16xi32>
      %sub3A = vector.broadcast %mul3A_17 : i32 to vector<16xi32>
      %sub3A_85 = arith.subi %add3A_74, %sub3A : vector<16xi32>
      %select_n3A = arith.select %and3A_78, %sub3A_85, %add3A_84 : vector<16xi1>, vector<16xi32>
      %mul3A_86 = arith.constant 16 : i32
      %mul3A_87 = vector.broadcast %mul3A_86 : i32 to vector<16xi32>
      %mul3A_88 = arith.muli %select_n3A, %mul3A_87 : vector<16xi32>
      %mul3A_89 = arith.constant 16 : i32
      %mul3A_90 = arith.muli %scan3A_55, %mul3A_89 : i32
      %swap3A_91 = arith.index_cast %mul3A_90 : i32 to index
      %swap3A_92 = tpu.vector_load %arg13[%swap3A_91] {strides = array<i32>} : memref<10752xi32, #tpu.memory_space<vmem>>, vector<16xi32>,
      tpu.vector_store %arg13[%swap3A_91], %mul3A_88 {strides = array<i32>} : memref<10752xi32, #tpu.memory_space<vmem>>, vector<16xi32>,
      %mul3A_93 = arith.constant 16 : i32
      %mul3A_94 = arith.muli %scan3A_55, %mul3A_93 : i32
      %swap3A_95 = arith.index_cast %mul3A_94 : i32 to index
      %swap3A_96 = tpu.vector_load %arg14[%swap3A_95] {strides = array<i32>} : memref<10752xi32, #tpu.memory_space<vmem>>, vector<16xi32>,
      tpu.vector_store %arg14[%swap3A_95], %add3A_68 {strides = array<i32>} : memref<10752xi32, #tpu.memory_space<vmem>>, vector<16xi32>,
      %gather3A = tpu.vector_load_idx %arg10[%get3A_59] : memref<10000xf32, #tpu.memory_space<vmem>>[vector<16xi32>], vector<16xf32>,
      %gather3A_97 = tpu.vector_load_idx %arg10[%get3A_63] : memref<10000xf32, #tpu.memory_space<vmem>>[vector<16xi32>], vector<16xf32>,
      %mul3A_98 = vector.broadcast %reduce_sum3A_9 : f32 to vector<16xf32>
      %mul3A_99 = arith.mulf %mul3A_98, %gather3A : vector<16xf32>
      %mul3A_100 = vector.broadcast %reduce_sum3A_13 : f32 to vector<16xf32>
      %mul3A_101 = arith.mulf %mul3A_100, %gather3A_97 : vector<16xf32>
      %add3A_102 = arith.addf %mul3A_99, %mul3A_101 : vector<16xf32>
      %mul3A_103 = arith.constant 0.00999999977 : f32
      %mul3A_104 = vector.broadcast %mul3A_103 : f32 to vector<16xf32>
      %mul3A_105 = arith.mulf %add3A_102, %mul3A_104 : vector<16xf32>
      %max3A = arith.maximumf %add3A_102, %mul3A_105 : vector<16xf32>
      %exp3A = math.exp %max3A : vector<16xf32>
      %jit3A = arith.constant 0.000000e+00 : f32
      %broadcast_in_dim3A_106 = vector.broadcast %jit3A : f32 to vector<16xf32>
      %select_n3A_107 = arith.select %lt3A_70, %exp3A, %broadcast_in_dim3A_106 : vector<16xi1>, vector<16xf32>
      %mul3A_108 = arith.constant 16 : i32
      %mul3A_109 = arith.muli %scan3A_55, %mul3A_108 : i32
      %swap3A_110 = arith.index_cast %mul3A_109 : i32 to index
      %swap3A_111 = tpu.vector_load %arg15[%swap3A_110] {strides = array<i32>} : memref<10752xf32, #tpu.memory_space<vmem>>, vector<16xf32>,
      tpu.vector_store %arg15[%swap3A_110], %select_n3A_107 {strides = array<i32>} : memref<10752xf32, #tpu.memory_space<vmem>>, vector<16xf32>,
      %add3A_112 = arith.addf %scan3A_56, %select_n3A_107 : vector<16xf32>
      scf.yield %add3A_112 : vector<16xf32>
    }
    %scan3A_26 = arith.constant 672 : i32
    %swap3A = arith.constant 0 : index
    %swap3A_27 = tpu.vector_load %arg19[%swap3A] {strides = array<i32>} : memref<16xf32, #tpu.memory_space<vmem>>, vector<16xf32>,
    tpu.vector_store %arg19[%swap3A], %scan3A_25 {strides = array<i32>} : memref<16xf32, #tpu.memory_space<vmem>>, vector<16xf32>,
    %mul3A_28 = arith.constant 16 : i32
    %mul3A_29 = arith.muli %arg0, %mul3A_28 : i32
    %add3A_30 = arith.addi %mul3A_29, %arg1 : i32
    "tpu.region"() ({
      %run_scoped3A = tpu.sem_alloc : memref<!tpu.dma_semaphore, #tpu.memory_space<semaphore_mem>>
      %dma_start3A = arith.constant 0 : i32
      %dma_start3A_55 = tpu.memref_slice %arg9[%add3A_30, %dma_start3A] : memref<32x16xf32, #tpu.memory_space<hbm>> -> memref<1x16xf32, #tpu.memory_space<hbm>>
      %dma_start3A_56 = tpu.memref_squeeze %dma_start3A_55 : memref<1x16xf32, #tpu.memory_space<hbm>> -> memref<16xf32, #tpu.memory_space<hbm>>
      %dma_start3A_57 = arith.constant 0 : i32
      %dma_start3A_58 = tpu.memref_slice %arg9[%add3A_30, %dma_start3A_57] : memref<32x16xf32, #tpu.memory_space<hbm>> -> memref<1x16xf32, #tpu.memory_space<hbm>>
      %dma_start3A_59 = tpu.memref_squeeze %dma_start3A_58 : memref<1x16xf32, #tpu.memory_space<hbm>> -> memref<16xf32, #tpu.memory_space<hbm>>
      tpu.enqueue_dma source(%arg19 : memref<16xf32, #tpu.memory_space<vmem>>) target(%dma_start3A_59 : memref<16xf32, #tpu.memory_space<hbm>>) target_semaphore(%run_scoped3A : memref<!tpu.dma_semaphore, #tpu.memory_space<semaphore_mem>>)
      %dma_wait3A = arith.constant 0 : i32
      %dma_wait3A_60 = tpu.memref_slice %arg9[%add3A_30, %dma_wait3A] : memref<32x16xf32, #tpu.memory_space<hbm>> -> memref<1x16xf32, #tpu.memory_space<hbm>>
      %dma_wait3A_61 = tpu.memref_squeeze %dma_wait3A_60 : memref<1x16xf32, #tpu.memory_space<hbm>> -> memref<16xf32, #tpu.memory_space<hbm>>
      %dma_wait3A_62 = arith.constant 0 : i32
      %dma_wait3A_63 = tpu.memref_slice %arg9[%add3A_30, %dma_wait3A_62] : memref<32x16xf32, #tpu.memory_space<hbm>> -> memref<1x16xf32, #tpu.memory_space<hbm>>
      %dma_wait3A_64 = tpu.memref_squeeze %dma_wait3A_63 : memref<1x16xf32, #tpu.memory_space<hbm>> -> memref<16xf32, #tpu.memory_space<hbm>>
      tpu.wait_dma2 semaphore(%run_scoped3A : memref<!tpu.dma_semaphore, #tpu.memory_space<semaphore_mem>>) src(%arg19 : memref<16xf32, #tpu.memory_space<vmem>>) dst(%dma_wait3A_64 : memref<16xf32, #tpu.memory_space<hbm>>)
      tpu.yield
    }) : () -> ()
    %eq3A = arith.constant 0 : i32
    %eq3A_31 = arith.cmpi eq, %arg0, %eq3A : i32
    %convert_element_type3A = arith.extui %eq3A_31 : i1 to i32
    %cond3A = arith.constant 0 : i32
    %cond3A_32 = arith.cmpi ne, %convert_element_type3A, %cond3A : i32
    scf.if %cond3A_32 {
      %dma_start3A = arith.constant 0 : i32
      %dma_start3A_55 = tpu.memref_slice %arg6[%dma_start3A] : memref<800262272xi32, #tpu.memory_space<hbm>> -> memref<800262272xi32, #tpu.memory_space<hbm>>
      tpu.enqueue_indirect_dma source(%dma_start3A_55 : memref<800262272xi32, #tpu.memory_space<hbm>>) target(%arg16 : memref<10752xi32, #tpu.memory_space<vmem>>) offsets(%arg13 : memref<10752xi32, #tpu.memory_space<vmem>>) semaphore(%arg20 : memref<!tpu.dma_semaphore, #tpu.memory_space<semaphore_mem>>)
      %dma_wait3A = arith.constant 0 : i32
      %dma_wait3A_56 = tpu.memref_slice %arg6[%dma_wait3A] : memref<800262272xi32, #tpu.memory_space<hbm>> -> memref<800262272xi32, #tpu.memory_space<hbm>>
      tpu.wait_indirect_dma semaphore(%arg20 : memref<!tpu.dma_semaphore, #tpu.memory_space<semaphore_mem>>) src(%dma_wait3A_56 : memref<800262272xi32, #tpu.memory_space<hbm>>) dst(%arg16 : memref<10752xi32, #tpu.memory_space<vmem>>)
    } else {
    }
    %eq3A_33 = arith.constant 1 : i32
    %eq3A_34 = arith.cmpi eq, %arg0, %eq3A_33 : i32
    %convert_element_type3A_35 = arith.extui %eq3A_34 : i1 to i32
    %cond3A_36 = arith.constant 0 : i32
    %cond3A_37 = arith.cmpi ne, %convert_element_type3A_35, %cond3A_36 : i32
    scf.if %cond3A_37 {
      %dma_start3A = arith.constant 0 : i32
      %dma_start3A_55 = tpu.memref_slice %arg7[%dma_start3A] : memref<800262272xi32, #tpu.memory_space<hbm>> -> memref<800262272xi32, #tpu.memory_space<hbm>>
      tpu.enqueue_indirect_dma source(%dma_start3A_55 : memref<800262272xi32, #tpu.memory_space<hbm>>) target(%arg16 : memref<10752xi32, #tpu.memory_space<vmem>>) offsets(%arg13 : memref<10752xi32, #tpu.memory_space<vmem>>) semaphore(%arg20 : memref<!tpu.dma_semaphore, #tpu.memory_space<semaphore_mem>>)
      %dma_wait3A = arith.constant 0 : i32
      %dma_wait3A_56 = tpu.memref_slice %arg7[%dma_wait3A] : memref<800262272xi32, #tpu.memory_space<hbm>> -> memref<800262272xi32, #tpu.memory_space<hbm>>
      tpu.wait_indirect_dma semaphore(%arg20 : memref<!tpu.dma_semaphore, #tpu.memory_space<semaphore_mem>>) src(%dma_wait3A_56 : memref<800262272xi32, #tpu.memory_space<hbm>>) dst(%arg16 : memref<10752xi32, #tpu.memory_space<vmem>>)
    } else {
    }
    %scan3A_38 = arith.constant 0 : i32
    %scan3A_39 = arith.constant 0 : i32
    %scan3A_40 = arith.constant 640 : i32
    %scan3A_41 = arith.addi %scan3A_39, %scan3A_40 : i32
    %scan3A_42 = arith.constant 1 : i32
    %scan3A_43 = scf.for %scan3A_55 = %scan3A_39 to %scan3A_41 step %scan3A_42 iter_args(%scan3A_56 = %scan3A_38) -> (i32)  : i32 {
      %mul3A_57 = arith.constant 16 : i32
      %mul3A_58 = arith.muli %scan3A_55, %mul3A_57 : i32
      %swap3A_59 = arith.index_cast %mul3A_58 : i32 to index
      %swap3A_60 = tpu.vector_load %arg17[%swap3A_59] {strides = array<i32>} : memref<10240xf32, #tpu.memory_space<vmem>>, vector<16xf32>,
      tpu.vector_store %arg17[%swap3A_59], %broadcast_in_dim3A_1 {strides = array<i32>} : memref<10240xf32, #tpu.memory_space<vmem>>, vector<16xf32>,
      %scan3A_61 = arith.constant 0 : i32
      scf.yield %scan3A_61 : i32
    }
    %scan3A_44 = arith.constant 640 : i32
    %scan3A_45 = arith.constant 0 : i32
    %scan3A_46 = arith.constant 0 : i32
    %scan3A_47 = arith.constant 672 : i32
    %scan3A_48 = arith.addi %scan3A_46, %scan3A_47 : i32
    %scan3A_49 = arith.constant 1 : i32
    %scan3A_50 = scf.for %scan3A_55 = %scan3A_46 to %scan3A_48 step %scan3A_49 iter_args(%scan3A_56 = %scan3A_45) -> (i32)  : i32 {
      %mul3A_57 = arith.constant 16 : i32
      %mul3A_58 = arith.muli %scan3A_55, %mul3A_57 : i32
      %get3A = arith.index_cast %mul3A_58 : i32 to index
      %get3A_59 = tpu.vector_load %arg13[%get3A] {strides = array<i32>} : memref<10752xi32, #tpu.memory_space<vmem>>, vector<16xi32>,
      %mul3A_60 = arith.constant 16 : i32
      %mul3A_61 = arith.muli %scan3A_55, %mul3A_60 : i32
      %get3A_62 = arith.index_cast %mul3A_61 : i32 to index
      %get3A_63 = tpu.vector_load %arg14[%get3A_62] {strides = array<i32>} : memref<10752xi32, #tpu.memory_space<vmem>>, vector<16xi32>,
      %mul3A_64 = arith.constant 16 : i32
      %mul3A_65 = arith.muli %scan3A_55, %mul3A_64 : i32
      %get3A_66 = arith.index_cast %mul3A_65 : i32 to index
      %get3A_67 = tpu.vector_load %arg16[%get3A_66] {strides = array<i32>} : memref<10752xi32, #tpu.memory_space<vmem>>, vector<16xi32>,
      %lt3A = arith.constant 800000000 : i32
      %lt3A_68 = vector.broadcast %lt3A : i32 to vector<16xi32>
      %lt3A_69 = arith.cmpi slt, %get3A_59, %lt3A_68 : vector<16xi32>
      %eq3A_70 = arith.cmpi eq, %get3A_67, %get3A_63 : vector<16xi32>
      %and3A = arith.andi %lt3A_69, %eq3A_70 : vector<16xi1>
      %mul3A_71 = arith.constant 16 : i32
      %mul3A_72 = arith.muli %scan3A_55, %mul3A_71 : i32
      %get3A_73 = arith.index_cast %mul3A_72 : i32 to index
      %get3A_74 = tpu.vector_load %arg12[%get3A_73] {strides = array<i32>} : memref<10752xi32, #tpu.memory_space<vmem>>, vector<16xi32>,
      %mul3A_75 = arith.constant 16 : i32
      %mul3A_76 = arith.muli %scan3A_55, %mul3A_75 : i32
      %get3A_77 = arith.index_cast %mul3A_76 : i32 to index
      %get3A_78 = tpu.vector_load %arg11[%get3A_77] {strides = array<i32>} : memref<10752xi32, #tpu.memory_space<vmem>>, vector<16xi32>,
      %mul3A_79 = arith.constant 16 : i32
      %mul3A_80 = arith.muli %scan3A_55, %mul3A_79 : i32
      %get3A_81 = arith.index_cast %mul3A_80 : i32 to index
      %get3A_82 = tpu.vector_load %arg15[%get3A_81] {strides = array<i32>} : memref<10752xf32, #tpu.memory_space<vmem>>, vector<16xf32>,
      %gather3A = tpu.vector_load_idx %arg10[%get3A_74] : memref<10000xf32, #tpu.memory_space<vmem>>[vector<16xi32>], vector<16xf32>,
      %mul3A_83 = arith.mulf %get3A_82, %gather3A : vector<16xf32>
      tpu.vector_store_idx %arg17[%get3A_78], %mul3A_83 masked %and3A {add = true} : memref<10240xf32, #tpu.memory_space<vmem>>[vector<16xi32>], vector<16xf32>, vector<16xi1>
      %scan3A_84 = arith.constant 0 : i32
      scf.yield %scan3A_84 : i32
    }
    %scan3A_51 = arith.constant 672 : i32
    %mul3A_52 = arith.constant 16 : i32
    %mul3A_53 = arith.muli %arg0, %mul3A_52 : i32
    %add3A_54 = arith.addi %mul3A_53, %arg1 : i32
    "tpu.region"() ({
      %run_scoped3A = tpu.sem_alloc : memref<!tpu.dma_semaphore, #tpu.memory_space<semaphore_mem>>
      %dma_start3A = arith.constant 0 : i32
      %dma_start3A_55 = tpu.memref_slice %arg8[%add3A_54, %dma_start3A] : memref<32x10240xf32, #tpu.memory_space<hbm>> -> memref<1x10240xf32, #tpu.memory_space<hbm>>
      %dma_start3A_56 = tpu.memref_squeeze %dma_start3A_55 : memref<1x10240xf32, #tpu.memory_space<hbm>> -> memref<10240xf32, #tpu.memory_space<hbm>>
      %dma_start3A_57 = arith.constant 0 : i32
      %dma_start3A_58 = tpu.memref_slice %arg8[%add3A_54, %dma_start3A_57] : memref<32x10240xf32, #tpu.memory_space<hbm>> -> memref<1x10240xf32, #tpu.memory_space<hbm>>
      %dma_start3A_59 = tpu.memref_squeeze %dma_start3A_58 : memref<1x10240xf32, #tpu.memory_space<hbm>> -> memref<10240xf32, #tpu.memory_space<hbm>>
      tpu.enqueue_dma source(%arg17 : memref<10240xf32, #tpu.memory_space<vmem>>) target(%dma_start3A_59 : memref<10240xf32, #tpu.memory_space<hbm>>) target_semaphore(%run_scoped3A : memref<!tpu.dma_semaphore, #tpu.memory_space<semaphore_mem>>)
      %dma_wait3A = arith.constant 0 : i32
      %dma_wait3A_60 = tpu.memref_slice %arg8[%add3A_54, %dma_wait3A] : memref<32x10240xf32, #tpu.memory_space<hbm>> -> memref<1x10240xf32, #tpu.memory_space<hbm>>
      %dma_wait3A_61 = tpu.memref_squeeze %dma_wait3A_60 : memref<1x10240xf32, #tpu.memory_space<hbm>> -> memref<10240xf32, #tpu.memory_space<hbm>>
      %dma_wait3A_62 = arith.constant 0 : i32
      %dma_wait3A_63 = tpu.memref_slice %arg8[%add3A_54, %dma_wait3A_62] : memref<32x10240xf32, #tpu.memory_space<hbm>> -> memref<1x10240xf32, #tpu.memory_space<hbm>>
      %dma_wait3A_64 = tpu.memref_squeeze %dma_wait3A_63 : memref<1x10240xf32, #tpu.memory_space<hbm>> -> memref<10240xf32, #tpu.memory_space<hbm>>
      tpu.wait_dma2 semaphore(%run_scoped3A : memref<!tpu.dma_semaphore, #tpu.memory_space<semaphore_mem>>) src(%arg17 : memref<10240xf32, #tpu.memory_space<vmem>>) dst(%dma_wait3A_64 : memref<10240xf32, #tpu.memory_space<hbm>>)
      tpu.yield
    }) : () -> ()
    return
  }
}

#map = affine_map<(d0, d1) -> (0)>
module attributes {stable_mosaic.version = 14 : i64} {
  func.func @_sc_scat_body(%arg0: i32, %arg1: i32, %arg2: memref<172032xi32, #tpu.memory_space<hbm>>, %arg3: memref<172032xi32, #tpu.memory_space<hbm>>, %arg4: memref<800262272xi32, #tpu.memory_space<hbm>>, %arg5: memref<800262272xi32, #tpu.memory_space<hbm>>, %arg6: memref<10752xi32, #tpu.memory_space<vmem>>, %arg7: memref<10752xi32, #tpu.memory_space<vmem>>, %arg8: memref<10752xi32, #tpu.memory_space<vmem>>, %arg9: memref<10752xi32, #tpu.memory_space<vmem>>, %arg10: memref<!tpu.dma_semaphore, #tpu.memory_space<semaphore_mem>>) attributes {dimension_semantics = [#tpu.dimension_semantics<core_parallel>, #tpu.dimension_semantics<subcore_parallel>], iteration_bounds = array<i64: 2, 16>, scalar_prefetch = 0 : i64, scratch_operands = 5 : i64, tpu.core_type = #tpu.core_type<sc_vector_subcore>, window_params = [{transform_indices = #map}, {transform_indices = #map}, {transform_indices = #map}, {transform_indices = #map}]} {
    %mul3A = arith.constant 10752 : i32
    %mul3A_0 = arith.muli %arg1, %mul3A : i32
    "tpu.region"() ({
      %run_scoped3A = tpu.sem_alloc : memref<!tpu.dma_semaphore, #tpu.memory_space<semaphore_mem>>
      %dma_start3A = tpu.memref_slice %arg2[%mul3A_0] : memref<172032xi32, #tpu.memory_space<hbm>> -> memref<10752xi32, #tpu.memory_space<hbm>>
      %dma_start3A_18 = tpu.memref_slice %arg2[%mul3A_0] : memref<172032xi32, #tpu.memory_space<hbm>> -> memref<10752xi32, #tpu.memory_space<hbm>>
      tpu.enqueue_dma source(%dma_start3A_18 : memref<10752xi32, #tpu.memory_space<hbm>>) target(%arg6 : memref<10752xi32, #tpu.memory_space<vmem>>) target_semaphore(%run_scoped3A : memref<!tpu.dma_semaphore, #tpu.memory_space<semaphore_mem>>)
      %dma_wait3A = tpu.memref_slice %arg2[%mul3A_0] : memref<172032xi32, #tpu.memory_space<hbm>> -> memref<10752xi32, #tpu.memory_space<hbm>>
      %dma_wait3A_19 = tpu.memref_slice %arg2[%mul3A_0] : memref<172032xi32, #tpu.memory_space<hbm>> -> memref<10752xi32, #tpu.memory_space<hbm>>
      tpu.wait_dma2 semaphore(%run_scoped3A : memref<!tpu.dma_semaphore, #tpu.memory_space<semaphore_mem>>) src(%dma_wait3A_19 : memref<10752xi32, #tpu.memory_space<hbm>>) dst(%arg6 : memref<10752xi32, #tpu.memory_space<vmem>>)
      tpu.yield
    }) : () -> ()
    "tpu.region"() ({
      %run_scoped3A = tpu.sem_alloc : memref<!tpu.dma_semaphore, #tpu.memory_space<semaphore_mem>>
      %dma_start3A = tpu.memref_slice %arg3[%mul3A_0] : memref<172032xi32, #tpu.memory_space<hbm>> -> memref<10752xi32, #tpu.memory_space<hbm>>
      %dma_start3A_18 = tpu.memref_slice %arg3[%mul3A_0] : memref<172032xi32, #tpu.memory_space<hbm>> -> memref<10752xi32, #tpu.memory_space<hbm>>
      tpu.enqueue_dma source(%dma_start3A_18 : memref<10752xi32, #tpu.memory_space<hbm>>) target(%arg7 : memref<10752xi32, #tpu.memory_space<vmem>>) target_semaphore(%run_scoped3A : memref<!tpu.dma_semaphore, #tpu.memory_space<semaphore_mem>>)
      %dma_wait3A = tpu.memref_slice %arg3[%mul3A_0] : memref<172032xi32, #tpu.memory_space<hbm>> -> memref<10752xi32, #tpu.memory_space<hbm>>
      %dma_wait3A_19 = tpu.memref_slice %arg3[%mul3A_0] : memref<172032xi32, #tpu.memory_space<hbm>> -> memref<10752xi32, #tpu.memory_space<hbm>>
      tpu.wait_dma2 semaphore(%run_scoped3A : memref<!tpu.dma_semaphore, #tpu.memory_space<semaphore_mem>>) src(%dma_wait3A_19 : memref<10752xi32, #tpu.memory_space<hbm>>) dst(%arg7 : memref<10752xi32, #tpu.memory_space<vmem>>)
      tpu.yield
    }) : () -> ()
    %mul3A_1 = arith.constant 10752 : i32
    %mul3A_2 = arith.muli %arg1, %mul3A_1 : i32
    %iota3A = tpu.iota {dimensions = array<i32: 0>} : vector<16xi32>
    %mul3A_3 = arith.constant 50000000 : i32
    %mul3A_4 = arith.muli %arg0, %mul3A_3 : i32
    %add3A = arith.constant 50000000 : i32
    %add3A_5 = arith.addi %mul3A_4, %add3A : i32
    %broadcast_in_dim3A = arith.constant 0.000000e+00 : f32
    %broadcast_in_dim3A_6 = vector.broadcast %broadcast_in_dim3A : f32 to vector<16xf32>
    %scan3A = arith.constant 0 : i32
    %scan3A_7 = arith.constant 672 : i32
    %scan3A_8 = arith.addi %scan3A, %scan3A_7 : i32
    %scan3A_9 = arith.constant 1 : i32
    scf.for %scan3A_18 = %scan3A to %scan3A_8 step %scan3A_9  : i32 {
      %mul3A_19 = arith.constant 16 : i32
      %mul3A_20 = arith.muli %scan3A_18, %mul3A_19 : i32
      %get3A = arith.index_cast %mul3A_20 : i32 to index
      %get3A_21 = tpu.vector_load %arg6[%get3A] {strides = array<i32>} : memref<10752xi32, #tpu.memory_space<vmem>>, vector<16xi32>,
      %mul3A_22 = arith.constant 16 : i32
      %mul3A_23 = arith.muli %scan3A_18, %mul3A_22 : i32
      %get3A_24 = arith.index_cast %mul3A_23 : i32 to index
      %get3A_25 = tpu.vector_load %arg7[%get3A_24] {strides = array<i32>} : memref<10752xi32, #tpu.memory_space<vmem>>, vector<16xi32>,
      %mul3A_26 = arith.constant 16 : i32
      %mul3A_27 = arith.muli %scan3A_18, %mul3A_26 : i32
      %add3A_28 = arith.addi %mul3A_2, %mul3A_27 : i32
      %add3A_29 = vector.broadcast %add3A_28 : i32 to vector<16xi32>
      %add3A_30 = arith.addi %add3A_29, %iota3A : vector<16xi32>
      %lt3A = arith.constant 170000 : i32
      %lt3A_31 = vector.broadcast %lt3A : i32 to vector<16xi32>
      %lt3A_32 = arith.cmpi slt, %add3A_30, %lt3A_31 : vector<16xi32>
      %mul3A_33 = arith.constant 10000 : i32
      %mul3A_34 = vector.broadcast %mul3A_33 : i32 to vector<16xi32>
      %mul3A_35 = arith.muli %get3A_21, %mul3A_34 : vector<16xi32>
      %add3A_36 = arith.addi %mul3A_35, %get3A_25 : vector<16xi32>
      %ge3A = vector.broadcast %mul3A_4 : i32 to vector<16xi32>
      %ge3A_37 = arith.cmpi sge, %add3A_36, %ge3A : vector<16xi32>
      %and3A = arith.andi %lt3A_32, %ge3A_37 : vector<16xi1>
      %lt3A_38 = vector.broadcast %add3A_5 : i32 to vector<16xi32>
      %lt3A_39 = arith.cmpi slt, %add3A_36, %lt3A_38 : vector<16xi32>
      %and3A_40 = arith.andi %and3A, %lt3A_39 : vector<16xi1>
      %and3A_41 = arith.constant 16383 : i32
      %and3A_42 = vector.broadcast %and3A_41 : i32 to vector<16xi32>
      %and3A_43 = arith.andi %add3A_30, %and3A_42 : vector<16xi32>
      %add3A_44 = arith.constant 50000000 : i32
      %add3A_45 = vector.broadcast %add3A_44 : i32 to vector<16xi32>
      %add3A_46 = arith.addi %add3A_45, %and3A_43 : vector<16xi32>
      %sub3A = vector.broadcast %mul3A_4 : i32 to vector<16xi32>
      %sub3A_47 = arith.subi %add3A_36, %sub3A : vector<16xi32>
      %select_n3A = arith.select %and3A_40, %sub3A_47, %add3A_46 : vector<16xi1>, vector<16xi32>
      %mul3A_48 = arith.constant 16 : i32
      %mul3A_49 = vector.broadcast %mul3A_48 : i32 to vector<16xi32>
      %mul3A_50 = arith.muli %select_n3A, %mul3A_49 : vector<16xi32>
      %mul3A_51 = arith.constant 16 : i32
      %mul3A_52 = arith.muli %scan3A_18, %mul3A_51 : i32
      %swap3A = arith.index_cast %mul3A_52 : i32 to index
      %swap3A_53 = tpu.vector_load %arg8[%swap3A] {strides = array<i32>} : memref<10752xi32, #tpu.memory_space<vmem>>, vector<16xi32>,
      tpu.vector_store %arg8[%swap3A], %mul3A_50 {strides = array<i32>} : memref<10752xi32, #tpu.memory_space<vmem>>, vector<16xi32>,
      %mul3A_54 = arith.constant 16 : i32
      %mul3A_55 = arith.muli %scan3A_18, %mul3A_54 : i32
      %swap3A_56 = arith.index_cast %mul3A_55 : i32 to index
      %swap3A_57 = tpu.vector_load %arg9[%swap3A_56] {strides = array<i32>} : memref<10752xi32, #tpu.memory_space<vmem>>, vector<16xi32>,
      tpu.vector_store %arg9[%swap3A_56], %add3A_30 {strides = array<i32>} : memref<10752xi32, #tpu.memory_space<vmem>>, vector<16xi32>,
    }
    %scan3A_10 = arith.constant 672 : i32
    %eq3A = arith.constant 0 : i32
    %eq3A_11 = arith.cmpi eq, %arg0, %eq3A : i32
    %convert_element_type3A = arith.extui %eq3A_11 : i1 to i32
    %cond3A = arith.constant 0 : i32
    %cond3A_12 = arith.cmpi ne, %convert_element_type3A, %cond3A : i32
    scf.if %cond3A_12 {
      %dma_start3A = arith.constant 0 : i32
      %dma_start3A_18 = tpu.memref_slice %arg4[%dma_start3A] : memref<800262272xi32, #tpu.memory_space<hbm>> -> memref<800262272xi32, #tpu.memory_space<hbm>>
      tpu.enqueue_indirect_dma source(%arg9 : memref<10752xi32, #tpu.memory_space<vmem>>) target(%dma_start3A_18 : memref<800262272xi32, #tpu.memory_space<hbm>>) offsets(%arg8 : memref<10752xi32, #tpu.memory_space<vmem>>) semaphore(%arg10 : memref<!tpu.dma_semaphore, #tpu.memory_space<semaphore_mem>>)
      %dma_wait3A = arith.constant 0 : i32
      %dma_wait3A_19 = tpu.memref_slice %arg4[%dma_wait3A] : memref<800262272xi32, #tpu.memory_space<hbm>> -> memref<800262272xi32, #tpu.memory_space<hbm>>
      tpu.wait_indirect_dma semaphore(%arg10 : memref<!tpu.dma_semaphore, #tpu.memory_space<semaphore_mem>>) src(%arg9 : memref<10752xi32, #tpu.memory_space<vmem>>) dst(%dma_wait3A_19 : memref<800262272xi32, #tpu.memory_space<hbm>>)
    } else {
    }
    %eq3A_13 = arith.constant 1 : i32
    %eq3A_14 = arith.cmpi eq, %arg0, %eq3A_13 : i32
    %convert_element_type3A_15 = arith.extui %eq3A_14 : i1 to i32
    %cond3A_16 = arith.constant 0 : i32
    %cond3A_17 = arith.cmpi ne, %convert_element_type3A_15, %cond3A_16 : i32
    scf.if %cond3A_17 {
      %dma_start3A = arith.constant 0 : i32
      %dma_start3A_18 = tpu.memref_slice %arg5[%dma_start3A] : memref<800262272xi32, #tpu.memory_space<hbm>> -> memref<800262272xi32, #tpu.memory_space<hbm>>
      tpu.enqueue_indirect_dma source(%arg9 : memref<10752xi32, #tpu.memory_space<vmem>>) target(%dma_start3A_18 : memref<800262272xi32, #tpu.memory_space<hbm>>) offsets(%arg8 : memref<10752xi32, #tpu.memory_space<vmem>>) semaphore(%arg10 : memref<!tpu.dma_semaphore, #tpu.memory_space<semaphore_mem>>)
      %dma_wait3A = arith.constant 0 : i32
      %dma_wait3A_19 = tpu.memref_slice %arg5[%dma_wait3A] : memref<800262272xi32, #tpu.memory_space<hbm>> -> memref<800262272xi32, #tpu.memory_space<hbm>>
      tpu.wait_indirect_dma semaphore(%arg10 : memref<!tpu.dma_semaphore, #tpu.memory_space<semaphore_mem>>) src(%arg9 : memref<10752xi32, #tpu.memory_space<vmem>>) dst(%dma_wait3A_19 : memref<800262272xi32, #tpu.memory_space<hbm>>)
    } else {
    }
    return
  }
}

module attributes {stable_mosaic.version = 14 : i64} {
  func.func @_tc_body(%arg0: memref<32x10240xf32, #tpu.memory_space<vmem>>, %arg1: memref<32x16xf32, #tpu.memory_space<vmem>>, %arg2: memref<1x128xf32, #tpu.memory_space<vmem>>, %arg3: memref<1x10000x128xf32, #tpu.memory_space<vmem>>) attributes {dimension_semantics = [], scalar_prefetch = 0 : i64, scratch_operands = 0 : i64, tpu.core_type = #tpu.core_type<tc>} {
    %get3A = arith.constant 0 : index
    %get3A_0 = arith.constant 0 : index
    %get3A_1 = vector.load %arg1[%get3A, %get3A_0] : memref<32x16xf32, #tpu.memory_space<vmem>>, vector<16x16xf32>
    %reduce_sum3A = vector.shape_cast %get3A_1 : vector<16x16xf32> to vector<1x16x16xf32>
    %reduce_sum3A_2 = arith.constant dense<0.000000e+00> : vector<1xf32>
    %reduce_sum3A_3 = vector.multi_reduction <add>, %reduce_sum3A, %reduce_sum3A_2 [1, 2] : vector<1x16x16xf32> to vector<1xf32>
    %reduce_sum3A_4 = vector.shape_cast %reduce_sum3A_3 : vector<1xf32> to vector<1x1x1xf32>
    %reduce_sum3A_5 = vector.extract %reduce_sum3A_4[0, 0, 0] : f32 from vector<1x1x1xf32>
    %get3A_6 = arith.constant 0 : index
    %get3A_7 = arith.constant 0 : index
    %get3A_8 = vector.load %arg0[%get3A_6, %get3A_7] : memref<32x10240xf32, #tpu.memory_space<vmem>>, vector<32x10240xf32>
    %reduce_sum3A_9 = arith.constant dense<0.000000e+00> : vector<10240xf32>
    %reduce_sum3A_10 = vector.multi_reduction <add>, %get3A_8, %reduce_sum3A_9 [0] : vector<32x10240xf32> to vector<10240xf32>
    %broadcast_in_dim3A = vector.shape_cast %reduce_sum3A_10 : vector<10240xf32> to vector<1x10240xf32>
    %slice3A = vector.extract_strided_slice %broadcast_in_dim3A {offsets = [0, 0], sizes = [1, 10000], strides = [1, 1]} : vector<1x10240xf32> to vector<1x10000xf32>
    %div3A = arith.constant 1.000000e+00 : f32
    %div3A_11 = arith.divf %div3A, %reduce_sum3A_5 : f32
    %mul3A = vector.broadcast %div3A_11 : f32 to vector<1x10000xf32>
    %mul3A_12 = arith.mulf %slice3A, %mul3A : vector<1x10000xf32>
    %get3A_13 = arith.constant 0 : index
    %get3A_14 = arith.constant 0 : index
    %get3A_15 = vector.load %arg2[%get3A_13, %get3A_14] : memref<1x128xf32, #tpu.memory_space<vmem>>, vector<1x128xf32>
    %dot_general3A = arith.constant dense<0.000000e+00> : vector<10000x128xf32>
    %dot_general3A_16 = tpu.matmul %mul3A_12, %get3A_15, %dot_general3A {dimension_numbers = #tpu.dot_dimension_numbers<[0], [0], [1], [1], [0, 1, 1, 1], [], []>, transpose_lhs_hint = false} : vector<1x10000xf32>, vector<1x128xf32>, vector<10000x128xf32> -> vector<10000x128xf32>
    %gt3A = arith.constant 0.000000e+00 : f32
    %gt3A_17 = vector.broadcast %gt3A : f32 to vector<10000x128xf32>
    %gt3A_18 = arith.cmpf ogt, %dot_general3A_16, %gt3A_17 : vector<10000x128xf32>
    %mul3A_19 = arith.constant 0.00999999977 : f32
    %mul3A_20 = vector.broadcast %mul3A_19 : f32 to vector<10000x128xf32>
    %mul3A_21 = arith.mulf %dot_general3A_16, %mul3A_20 : vector<10000x128xf32>
    %select_n3A = arith.select %gt3A_18, %dot_general3A_16, %mul3A_21 : vector<10000x128xi1>, vector<10000x128xf32>
    %swap3A = arith.constant 0 : index
    %swap3A_22 = arith.constant 0 : index
    %swap3A_23 = arith.constant 0 : index
    %swap3A_24 = vector.load %arg3[%swap3A, %swap3A_22, %swap3A_23] : memref<1x10000x128xf32, #tpu.memory_space<vmem>>, vector<1x10000x128xf32>
    %swap3A_25 = vector.shape_cast %swap3A_24 : vector<1x10000x128xf32> to vector<10000x128xf32>
    %swap3A_26 = vector.shape_cast %select_n3A : vector<10000x128xf32> to vector<1x10000x128xf32>
    tpu.vector_store %arg3[%swap3A, %swap3A_22, %swap3A_23], %swap3A_26 {strides = array<i32>} : memref<1x10000x128xf32, #tpu.memory_space<vmem>>, vector<1x10000x128xf32>,
    return
  }
}

</mosaic_0001>

<sc_bundles>
// kernel: kernel.5.cloned.1.call-start
scs
__scs_entry_jumppad:
0x0: {  	(pc) =	sbr.rel $0x88, $3  }
0x1: {  	(tag) =	ssettag $0x0;
	lr =	simm.s32 $0x1  }
0x2: {  	[smem:$0x3F9C] =	sst lr;
	_ =	strace $0xD0000000  }
0x3: {  	_ = 	snop  }
0x4: {  	_ = 	snop  }
0x5: {  	_ = 	snop  }
0x6: {  	_ = 	snop  }
0x7: {  	_ = 	snop  }
__scs_overlays_trampoline_lowered:
0x8: {  	[smem:$0x3FAB] =	sst s0  }
0x9: {  	[smem:$0x3FAC] =	sst s1  }
0xa: {  	[smem:$0x3FAD] =	sst s2  }
0xb: {  	[smem:$0x3FAE] =	sst s3  }
0xc: {  	[smem:$0x3FAF] =	sst s4  }
0xd: {  	[smem:$0x3FB0] =	sst s5  }
0xe: {  	[smem:$0x3FB1] =	sst s6  }
0xf: {  	[smem:$0x3FB2] =	sst s7  }
0x10: {  	[smem:$0x3FB3] =	sst s8  }
0x11: {  	[smem:$0x3FB4] =	sst s9;
	s0 =	simm.s32 @!p0 $0x0  }
0x12: {  	s1 =	sld [smem:$0x3F9A];
	s0 =	simm.s32 @p0 $0x1  }
0x13: {  	[smem:$0x3FB5] =	sst s0;
	s0 =	simm.s32 @!p1 $0x0  }
0x14: {  	s2 =	sld [smem:$0x3F99];
	s0 =	simm.s32 @p1 $0x1  }
0x15: {  	[smem:$0x3FB6] =	sst s0;
	s0 =	simm.s32 @!p2 $0x0  }
0x16: {  	s3 =	sld [smem:$0x3FDB];
	s0 =	simm.s32 @p2 $0x1  }
0x17: {  	s4 =	simm.s32 $0x1BF5;
	[smem:$0x3FB8] =	sst s0  }
0x18: {  	s0 =	sld [smem:$0x3F9B];
	_ =	swait.ge [sflag:s4], $0x0  }
0x19: {  	s7 =	sld [smem:$0x3F9C]  }
0x1a: {  	s8 =	sadd.s32 $0xFFFFE003, lr  }
0x1b: {  	s9 =	sadd.s32 $0xFFFFFEF7, lr;
	s5 =	simm.s32 $0xFFFFFFFF;
	p2 =	slt.u32 s8, $0xFFFFF086  }
0x1c: {  	p1 =	slt.u32 s9, $0xF7A;
	s5 =	simm.s32 @!p2 $0x0  }
0x1d: {  	s5 =	simm.s32 @p1 $0x1;
	p0 =	seq.s32 s7, s2  }
0x1e: {  	s7 =	smul.u32 @!p0 $0xF7A, s2;
	p2 =	seq.s32 @!p0 s5, $0x0  }
0x1f: {  	s9 =	smul.u32 $0xF7A, s1;
	s8 =	simm.s32 @!p0 $0x1BF5;
	p2 =	por !p2, p0  }
0x20: {  	[sflag:s8] =	ssyncset.s32 @!p0 $0xFFFFF086;
	s6 =	sadd.s32 @!p0 s3, s7;
	s7 =	simm.s32 @!p0 $0x108  }
0x21: {  	s3 =	sadd.s32 s3, s9;
	s6 =	sadd.s32 @!p0 $0x88, s6;
	s7 =	simm.s32 @p2 $0x1082  }
0x22: {  	[simem:s7], [sflag:s8] =	dma.local @!p0 [hbm:s6], $0xF7A  }
0x23: {  	s9 =	sor.u32 $0xD0000000, s2;
	s6 =	simm.s32 $0x108;
	_ =	swait.ge @!p0 [sflag:s8], $0x0  }
0x24: {  	s3 =	sadd.s32 $0x88, s3;
	s6 =	simm.s32 @!p1 $0x1082;
	[sflag:s4] =	ssyncset.s32 $0xFFFFF086  }
0x25: {  	[simem:s6], [sflag:s4] =	dma.local [hbm:s3], $0xF7A  }
0x26: {  	[smem:$0x3F9C] =	sst s1;
	(tag) =	ssettag s2;
	_ =	strace s9  }
0x27: {  	s1 =	sld [smem:$0x3FAC]  }
0x28: {  	s2 =	sld [smem:$0x3FAD]  }
0x29: {  	s4 =	sld [smem:$0x3FAF]  }
0x2a: {  	p0 =	seq.s32 s5, $0x0;
	s5 =	sld [smem:$0x3FB0]  }
0x2b: {  	s6 =	sld [smem:$0x3FB1]  }
0x2c: {  	s7 =	sld [smem:$0x3FB2]  }
0x2d: {  	s3 =	simm.s32 $0x108;
	s8 =	sld [smem:$0x3FB3]  }
0x2e: {  	s3 =	simm.s32 @!p0 $0x1082;
	s9 =	sld [smem:$0x3FB4]  }
0x2f: {  	lr =	sadd.s32 s0, s3;
	s0 =	sld [smem:$0x3FAB]  }
0x30: {  	s3 =	sld [smem:$0x3FAE]  }
0x31: {  	[smem:$0x3FB7] =	sst s10  }
0x32: {  	s10 =	sld [smem:$0x3FB5];
	_ =	sdelay $0x3  }
0x33: {  	p0 =	seq.s32 s10, $0x1;
	s10 =	sld [smem:$0x3FB7];
	_ =	sdelay $0x3  }
0x34: {  	[smem:$0x3FB7] =	sst s10  }
0x35: {  	s10 =	sld [smem:$0x3FB6];
	_ =	sdelay $0x3  }
0x36: {  	p1 =	seq.s32 s10, $0x1;
	s10 =	sld [smem:$0x3FB7];
	_ =	sdelay $0x3  }
0x37: {  	[smem:$0x3FB7] =	sst s10  }
0x38: {  	s10 =	sld [smem:$0x3FB8]  }
0x39: {  	_ = 	snop;
	(pc) =	sbr.ind lr, $3  }
0x3a: {  	_ = 	snop  }
0x3b: {  	_ = 	snop  }
0x3c: {  	p2 =	seq.s32 s10, $0x1;
	s10 =	sld [smem:$0x3FB7]  }
0x3d: {  	_ =	shalt  }
0x3e: {  	_ =	shalt  }
0x3f: {  	_ =	shalt  }
0x40: {  	_ =	shalt  }
0x41: {  	_ =	shalt  }
0x42: {  	_ =	shalt  }
0x43: {  	_ =	shalt  }
0x44: {  	_ =	shalt  }
0x45: {  	_ =	shalt  }
0x46: {  	_ =	shalt  }
0x47: {  	_ =	shalt  }
0x48: {  	_ =	shalt  }
0x49: {  	_ =	shalt  }
0x4a: {  	_ =	shalt  }
0x4b: {  	_ =	shalt  }
0x4c: {  	_ =	shalt  }
0x4d: {  	_ =	shalt  }
0x4e: {  	_ =	shalt  }
0x4f: {  	_ =	shalt  }
0x50: {  	_ =	shalt  }
0x51: {  	_ =	shalt  }
0x52: {  	_ =	shalt  }
0x53: {  	_ =	shalt  }
0x54: {  	_ =	shalt  }
0x55: {  	_ =	shalt  }
0x56: {  	_ =	shalt  }
0x57: {  	_ =	shalt  }
0x58: {  	_ =	shalt  }
0x59: {  	_ =	shalt  }
0x5a: {  	_ =	shalt  }
0x5b: {  	_ =	shalt  }
0x5c: {  	_ =	shalt  }
0x5d: {  	_ =	shalt  }
0x5e: {  	_ =	shalt  }
0x5f: {  	_ =	shalt  }
0x60: {  	_ =	shalt  }
0x61: {  	_ =	shalt  }
0x62: {  	_ =	shalt  }
0x63: {  	_ =	shalt  }
0x64: {  	_ =	shalt  }
0x65: {  	_ =	shalt  }
0x66: {  	_ =	shalt  }
0x67: {  	_ =	shalt  }
0x68: {  	_ =	shalt  }
0x69: {  	_ =	shalt  }
0x6a: {  	_ =	shalt  }
0x6b: {  	_ =	shalt  }
0x6c: {  	_ =	shalt  }
0x6d: {  	_ =	shalt  }
0x6e: {  	_ =	shalt  }
0x6f: {  	_ =	shalt  }
0x70: {  	_ =	shalt  }
0x71: {  	_ =	shalt  }
0x72: {  	_ =	shalt  }
0x73: {  	_ =	shalt  }
0x74: {  	_ =	shalt  }
0x75: {  	_ =	shalt  }
0x76: {  	_ =	shalt  }
0x77: {  	_ =	shalt  }
0x78: {  	_ =	shalt  }
0x79: {  	_ =	shalt  }
0x7a: {  	_ =	shalt  }
0x7b: {  	_ =	shalt  }
0x7c: {  	_ =	shalt  }
0x7d: {  	_ =	shalt  }
0x7e: {  	_ =	shalt  }
0x7f: {  	_ =	shalt  }
0x80: {  	_ =	shalt  }
0x81: {  	_ =	shalt  }
0x82: {  	_ =	shalt  }
0x83: {  	_ =	shalt  }
0x84: {  	_ =	shalt  }
0x85: {  	_ =	shalt  }
0x86: {  	_ =	shalt  }
0x87: {  	_ =	shalt  }
.Lfunc_end0:
.L_simem_size_0:
called_computation_lowered:
.L_overlay_start_0:
0x88: {  	s2 =	sld [smem:$0x3FD9]  }
0x89: {  	s3 =	sld [smem:$0x3FFE];
	_ =	sdelay $0x1  }
0x8a: {  	s1 =	srdreg.scid  }
0x8b: {  	s0 =	sand.u32 $0x1, s1  }
0x8c: {  	s16 =	sshll.u32 s0, $0xA;
	s2 =	sadd.s32 s3, s2  }
0x8d: {  	s2 =	sadd.s32 s2, s16  }
0x8e: {  	[smem:$0x3FC3] =	sst s2  }
0x8f: {  	_ = 	snop  }
0x90: {  	(tm) =	ssettm $0x1  }
0x91: {  	s17 =	sld [smem:$0x3FFB];
	_ =	sdelay $0x3  }
0x92: {  	_ =	strace s17  }
0x93: {  	s2 =	sld [smem:$0x3FFC];
	_ =	sdelay $0x3  }
0x94: {  	_ =	strace s2  }
0x95: {  	s2 =	sld [smem:$0x3FFD];
	_ =	sdelay $0x3  }
0x96: {  	_ =	strace s2  }
0x97: {  	_ =	strace $0x8FFFFFFF  }
0x98: {  	s18 =	sld [smem:$0x3FDB];
	_ =	sdelay $0x1  }
0x99: {  	s19 =	simm.s32 $_scs_section_size  }
0x9a: {  	s4 =	simm.s32 $_size__tile_overlayer_lowered;
	s5 =	simm.s32 $_tile_overlayer_lowered  }
0x9b: {  	s22 =	simm.s32 $0x1BFF;
	s21 =	sshll.u32 s5, $0x1;
	s2 =	sadd.s32 s19, s18  }
0x9c: {  	s6 =	simm.s32 $0x0;
	s20 =	sshll.u32 s4, $0x1;
	s4 =	sadd.s32 s21, s2  }
0x9d: {  	[timem:s6], [sflag:s22] =	dma.local [hbm:s4], s20  }
0x9e: {  	_ =	swait.ge [sflag:s22], s20  }
0x9f: {  	s3 =	ssub.s32 $0x0, s20;
	[sflag:s22] =	ssyncset.done $0x0  }
0xa0: {  	[sflag:s22] =	ssyncadd.s32 s3;
	_ =	sdelay $0x1  }
0xa1: {  	s23 =	simm.s32 $0x1B8B  }
0xa2: {  	_ =	swait.ge [sflag:s23], $0x1  }
0xa3: {  	[sflag:s23] =	ssyncset.done $0x0  }
0xa4: {  	s25 =	simm.s32 $0x1B8E;
	s24 =	sld [smem:$0x3FFE];
	[sflag:s23] =	ssyncadd.s32 $0xFFFFFFFF  }
0xa5: {  	s26 =	simm.s32 $execute0_lowered;
	[smem:$0x3FD2] =	sst s25  }
0xa6: {  	s4 =	sshll.u32 s26, $0x1;
	_ =	strace $0x80000046;
	[dreg:$0x1] =	wrdreg $0xFFFFFFFF  }
0xa7: {  	s28 =	simm.s32 $_size_execute0_lowered;
	s2 =	sadd.s32 s2, s4;
	[dreg:$0x0] =	wrdreg $0x0  }
0xa8: {  	s4 =	sshll.u32 s28, $0x1;
	[dreg:$0x2] =	wrdreg s2  }
0xa9: {  	[dreg:$0x3] =	wrdreg s4  }
0xaa: {  	[dreg:$0x4] =	wrdreg $0xC0  }
0xab: {  	_ =	task [dreg:s6], $0x5FFFF  }
0xac: {  	[dreg:$0x1] =	wrdreg $0xFFFFFFFF  }
0xad: {  	[dreg:$0x0] =	wrdreg $0x60  }
0xae: {  	[dreg:$0x2] =	wrdreg s24  }
0xaf: {  	[dreg:$0x3] =	wrdreg $0x9  }
0xb0: {  	_ =	task.clear_ibuf [dreg:s6], $0x4FFFF;
	_ =	strace $0x90000046  }
0xb1: {  	s29 =	simm.s32 $0x9;
	_ =	strace $0x80000048  }
0xb2: {  	_ =	swait.ge [sflag:s29], $0x1  }
0xb3: {  	[sflag:s29] =	ssyncadd.s32 $0xFFFFFFFF  }
0xb4: {  	_ =	strace $0x90000048  }
0xb5: {  	_ =	sfence  }
0xb6: {  	s30 =	sld [smem:$0x0];
	_ =	sdelay $0x2  }
0xb7: {  	s31 =	sshll.u32 s1, $0xD;
	s1 =	sshrl.u32 s1, $0x2  }
0xb8: {  	s3 =	sand.u32 $0x4000, s31;
	s1 =	sadd.s32 s1, s30  }
0xb9: {  	s0 =	sor.u32 s3, s0;
	s1 =	sshll.u32 s1, $0x11  }
0xba: {  	s0 =	sor.u32 s1, s0  }
0xbb: {  	s0 =	sadd.s32 $0x8F2B, s0  }
0xbc: {  	[sflag:s0] =	ssyncadd.remote.s32 $0x1  }
0xbd: {  	_ =	sfence.sel $0xFFFF  }
0xbe: {  	[dreg:$0x0] =	wrdreg $0xFFFFFFFF;
	(pc) =	sbr.abs _section_cstart, $3  }
0xbf: {  	[dreg:$0x1] =	wrdreg $0xFFFFFFFF  }
0xc0: {  	_ =	task.clear_ibuf [dreg:s6], $0x2FFFF;
	_ =	strace $0x9FFFFFFF  }
0xc1: {  	(tm) =	ssettm $0x7FFFFFFF  }
tec
execute0_lowered:
.L_overlay_start_1:
0x0: {  	(tag) =	ssettag $0x1  }
0x1: {  	s0 =	stileid.u32;
	s1 =	srdreg.scid  }
0x2: {  	s7 =	rddreg [dreg:$0x0];
	s3 =	simm.s32 $0x0;
	s9 =	simm.s32 $0x5F71E00  }
0x3: {  	s10 =	simm.s32 $0x5400;
	s4 =	sand.u32 $0x1, s1;
	s1 =	rddreg [dreg:$0x1]  }
0x4: {  	s13 =	simm.s32 $0x0;
	s2 =	smul.u32 $0x2A00, s0;
	[smem:$0x7FF] =	sst s3  }
0x5: {  	s5 =	ssub.s32 $0x2, s4;
	_ =	strace $0x80000047;
	s11 =	smul.u32 $0x2FAF080, s4  }
0x6: {  	p0 =	seq.s32 s4, $0x1;
	s6 =	sshrl.u32 s2, $0x3;
	s8 =	sshrl.u32 s5, $0x1  }
0x7: {  	s9 =	simm.s32 @!p0 $0xBC00;
	s6 =	sadd.s32 s6, s7;
	s8 =	ssub.s32 s5, s8  }
0x8: {  	s12 =	sadd.s32 $0x2FAF080, s11;
	s7 =	sadd.s32 s9, s7;
	s9 =	simm.s32 $0x2A00  }
0x9: {  	v0 =	vmov s11;
	s11 =	simm.s32 $0x7E00;
	s4 =	sadd.s32 $0x1400, s6;
	s5 =	sadd.s32 $0x6800, s6  }
0xa: {  	v2 =	vlaneseq.u32;
	s6 =	smax.u32 s8, $0x1;
	s8 =	simm.s32 $0x2;
	v1 =	vmov s12;
	s12 =	simm.s32 $0x1  }
.LBB2_1:
0xb: {  	[tilespmem:s3], [sflag:$0x2] =	stream.linear.gather [hbm4b:s4+s3], $0x2A00, $0x38;
	[tilespmem:$0xA800] =	vst v63  }
0xc: {  	_ =	swait.ge [sflag:s8], $0x2A00  }
0xd: {  	[sflag:s8] =	ssyncset.done $0x0  }
0xe: {  	[sflag:s8] =	ssyncadd.s32 $0xFFFFD600  }
0xf: {  	[tilespmem:s9], [sflag:$0x2] =	stream.linear.gather [hbm4b:s5+s3], $0x2A00, $0x38;
	[tilespmem:$0xA800] =	vst v63  }
0x10: {  	_ =	swait.ge [sflag:s8], $0x2A00  }
0x11: {  	[sflag:s8] =	ssyncset.done $0x0  }
0x12: {  	s14 =	simm.s32 $0x0;
	[sflag:s8] =	ssyncadd.s32 $0xFFFFD600  }
0x13: {  	v3 =	vld [tilespmem:s14+$0x0];
	_ =	sdelay $0x1  }
0x14: {  	v4 =	vld [tilespmem:s14+$0x2A00];
	_ =	sdelay $0x2  }
0x15: {  	v3 =	vmul.u32 $0x2710, v3  }
0x16: {  	s15 =	simm.s32 $0x10  }
0x17: {  	v6 =	vadd.s32 v4, v3;
	v3 =	vld [tilespmem:s15+$0x0]  }
0x18: {  	v5 =	vmov s2  }
0x19: {  	v7 =	vor.u32 s2, v2;
	vm0 =	vlt.u32 v5, $0x29810;
	v4 =	vld [tilespmem:s15+$0x2A00];
	vm1 =	vge.s32 v6, v0  }
0x1a: {  	v5 =	vand.u32 $0x3FFF, v7;
	vm0 =	vmand vm0, vm1;
	vm1 =	vlt.s32 v6, v1  }
0x1b: {  	s16 =	simm.s32 $0x80;
	s17 =	smov.u32 s2;
	v5 =	vadd.s32 $0x2FAF080, v5;
	[tilespmem:s14+$0x7E00] =	vst v7;
	v6 =	vsub.s32 v6, v0;
	vm0 =	vmand vm1, vm0  }
.LBB2_2:
0x1c: {  	s18 =	sshra.s32 s16, $0x2;
	p0 =	sne.s32 s16, $0xA7C0;
	s16 =	sadd.s32 $0x40, s16;
	v7 =	vmul.u32 $0x2710, v3;
	v5 =	vsel vm0, v6, v5  }
.Ltmp0:
0x1d: {  	s17 =	sadd.s32 $0x10, s17;
	v3 =	vld [tilespmem:s18+$0x0];
	v5 =	vshll.u32 v5, $0x4;
	(pc) =	sbr.rel @p0 .LBB2_2-.Ltmp0, $4  }
0x1e: {  	v6 =	vmov s17;
	v7 =	vadd.s32 v4, v7;
	[tilespmem:s14+$0x5400] =	vst v5;
	s14 =	smov.u32 s15;
	s15 =	smov.u32 s18  }
0x1f: {  	v5 =	vor.u32 s17, v2;
	vm0 =	vlt.u32 v6, $0x29810;
	v4 =	vld [tilespmem:s15+$0x2A00];
	vm1 =	vge.s32 v7, v0  }
0x20: {  	v6 =	vand.u32 $0x3FFF, v5;
	vm0 =	vmand vm0, vm1;
	vm1 =	vlt.s32 v7, v1;
	[tilespmem:s14+$0x7E00] =	vst v5  }
0x21: {  	v5 =	vadd.s32 $0x2FAF080, v6;
	v6 =	vsub.s32 v7, v0;
	vm0 =	vmand vm1, vm0  }
0x22: {  	v3 =	vmul.u32 $0x2710, v3  }
0x23: {  	s16 =	sadd.s32 $0x10, s17;
	v5 =	vsel vm0, v6, v5  }
0x24: {  	v61 =	vmov s16;
	v62 =	vor.u32 s16, v2;
	v3 =	vadd.s32 v4, v3  }
0x25: {  	v5 =	vshll.u32 v5, $0x4;
	vm1 =	vlt.u32 v61, $0x29810;
	vm2 =	vge.s32 v3, v0  }
0x26: {  	v63 =	vand.u32 $0x3FFF, v62;
	vm14 =	vlt.s32 v3, v1;
	vm1 =	vmand vm1, vm2  }
0x27: {  	v6 =	vadd.s32 $0x2FAF080, v63;
	v3 =	vsub.s32 v3, v0;
	vm15 =	vmand vm14, vm1  }
0x28: {  	s13 =	sadd.s32 $0x1, s13;
	[tilespmem:s14+$0x5400] =	vst v5;
	v3 =	vsel vm15, v3, v6  }
0x29: {  	p0 =	sne.s32 s13, s6;
	[tilespmem:s15+$0x7E00] =	vst v62;
	v3 =	vshll.u32 v3, $0x4  }
.Ltmp1:
0x2a: {  	[tilespmem:s15+$0x5400] =	vst v3;
	(pc) =	sbr.rel @p0 .LBB2_1-.Ltmp1, $4  }
0x2b: {  	[hbm4b:s7+s9] =	stream.indirect.scatter [tilespmem:s11], [sflag:$0x1], $0x1, s10, s9, $0xb8;
	[tilespmem:$0xA800] =	vst v63  }
0x2c: {  	_ =	swait.ge [sflag:s12], $0x2A00  }
0x2d: {  	[sflag:s12] =	ssyncset.done $0x0  }
0x2e: {  	[sflag:s12] =	ssyncadd.s32 $0xFFFFD600  }
0x2f: {  	_ =	sfence.sel $0x180000  }
0x30: {  	[bflag:$0x0] =	sbarrier.arrive $0xFFFF  }
0x31: {  	p0 =	sne.s32 s0, $0x0;
	_ =	strace $0x90000047  }
0x32: {  	s0 =	sadd.s32 @!p0 $0x100000, s1;
	[bflag:$0x2] =	sbarrier.arrive $0xFFFF  }
0x33: {  	[sflag:s0] =	ssyncadd.tile.s32 @!p0 $0x1;
	_ =	shalt  }
.Lfunc_end2:
_tile_overlayer_lowered:
.L_overlay_start_2:
0x34: {  	(tag) =	ssettag $0x2  }
0x35: {  	s0 =	rddreg [dreg:$0x0];
	s2 =	stileid.u32  }
0x36: {  	s1 =	rddreg [dreg:$0x1];
	p0 =	sne.s32 s2, $0x0  }
0x37: {  	s3 =	rddreg [dreg:$0x2];
	[bflag:$0x3] =	sbarrier.arrive $0xFFFF;
	s2 =	simm.s32 @!p0 $0x1C02  }
0x38: {  	[timem:s3], [sflag:s2] =	dma.local @!p0 [hbm:s0], s1  }
0x39: {  	s0 =	simm.s32 @!p0 $0x2  }
0x3a: {  	_ =	swait.ge @!p0 [sflag:s0], s1  }
0x3b: {  	s1 =	ssub.s32 @!p0 $0x0, s1;
	[sflag:s0] =	ssyncset.done @!p0 $0x0  }
0x3c: {  	[sflag:s0] =	ssyncadd.s32 @!p0 s1  }
0x3d: {  	[bflag:$0x3] =	sbarrier.arrive $0xFFFF  }
0x3e: {  	_ =	shalt  }

// kernel: kernel.8.cloned.1.call-start
scs
__scs_entry_jumppad:
0x0: {  	(pc) =	sbr.rel $0x88, $3  }
0x1: {  	(tag) =	ssettag $0x0;
	lr =	simm.s32 $0x1  }
0x2: {  	[smem:$0x3F9C] =	sst lr;
	_ =	strace $0xD0000000  }
0x3: {  	_ = 	snop  }
0x4: {  	_ = 	snop  }
0x5: {  	_ = 	snop  }
0x6: {  	_ = 	snop  }
0x7: {  	_ = 	snop  }
__scs_overlays_trampoline_lowered:
0x8: {  	[smem:$0x3FAB] =	sst s0  }
0x9: {  	[smem:$0x3FAC] =	sst s1  }
0xa: {  	[smem:$0x3FAD] =	sst s2  }
0xb: {  	[smem:$0x3FAE] =	sst s3  }
0xc: {  	[smem:$0x3FAF] =	sst s4  }
0xd: {  	[smem:$0x3FB0] =	sst s5  }
0xe: {  	[smem:$0x3FB1] =	sst s6  }
0xf: {  	[smem:$0x3FB2] =	sst s7  }
0x10: {  	[smem:$0x3FB3] =	sst s8  }
0x11: {  	[smem:$0x3FB4] =	sst s9;
	s0 =	simm.s32 @!p0 $0x0  }
0x12: {  	s1 =	sld [smem:$0x3F9A];
	s0 =	simm.s32 @p0 $0x1  }
0x13: {  	[smem:$0x3FB5] =	sst s0;
	s0 =	simm.s32 @!p1 $0x0  }
0x14: {  	s2 =	sld [smem:$0x3F99];
	s0 =	simm.s32 @p1 $0x1  }
0x15: {  	[smem:$0x3FB6] =	sst s0;
	s0 =	simm.s32 @!p2 $0x0  }
0x16: {  	s3 =	sld [smem:$0x3FDB];
	s0 =	simm.s32 @p2 $0x1  }
0x17: {  	s4 =	simm.s32 $0x1BF5;
	[smem:$0x3FB8] =	sst s0  }
0x18: {  	s0 =	sld [smem:$0x3F9B];
	_ =	swait.ge [sflag:s4], $0x0  }
0x19: {  	s7 =	sld [smem:$0x3F9C]  }
0x1a: {  	s8 =	sadd.s32 $0xFFFFE003, lr  }
0x1b: {  	s9 =	sadd.s32 $0xFFFFFEF7, lr;
	s5 =	simm.s32 $0xFFFFFFFF;
	p2 =	slt.u32 s8, $0xFFFFF086  }
0x1c: {  	p1 =	slt.u32 s9, $0xF7A;
	s5 =	simm.s32 @!p2 $0x0  }
0x1d: {  	s5 =	simm.s32 @p1 $0x1;
	p0 =	seq.s32 s7, s2  }
0x1e: {  	s7 =	smul.u32 @!p0 $0xF7A, s2;
	p2 =	seq.s32 @!p0 s5, $0x0  }
0x1f: {  	s9 =	smul.u32 $0xF7A, s1;
	s8 =	simm.s32 @!p0 $0x1BF5;
	p2 =	por !p2, p0  }
0x20: {  	[sflag:s8] =	ssyncset.s32 @!p0 $0xFFFFF086;
	s6 =	sadd.s32 @!p0 s3, s7;
	s7 =	simm.s32 @!p0 $0x108  }
0x21: {  	s3 =	sadd.s32 s3, s9;
	s6 =	sadd.s32 @!p0 $0x88, s6;
	s7 =	simm.s32 @p2 $0x1082  }
0x22: {  	[simem:s7], [sflag:s8] =	dma.local @!p0 [hbm:s6], $0xF7A  }
0x23: {  	s9 =	sor.u32 $0xD0000000, s2;
	s6 =	simm.s32 $0x108;
	_ =	swait.ge @!p0 [sflag:s8], $0x0  }
0x24: {  	s3 =	sadd.s32 $0x88, s3;
	s6 =	simm.s32 @!p1 $0x1082;
	[sflag:s4] =	ssyncset.s32 $0xFFFFF086  }
0x25: {  	[simem:s6], [sflag:s4] =	dma.local [hbm:s3], $0xF7A  }
0x26: {  	[smem:$0x3F9C] =	sst s1;
	(tag) =	ssettag s2;
	_ =	strace s9  }
0x27: {  	s1 =	sld [smem:$0x3FAC]  }
0x28: {  	s2 =	sld [smem:$0x3FAD]  }
0x29: {  	s4 =	sld [smem:$0x3FAF]  }
0x2a: {  	p0 =	seq.s32 s5, $0x0;
	s5 =	sld [smem:$0x3FB0]  }
0x2b: {  	s6 =	sld [smem:$0x3FB1]  }
0x2c: {  	s7 =	sld [smem:$0x3FB2]  }
0x2d: {  	s3 =	simm.s32 $0x108;
	s8 =	sld [smem:$0x3FB3]  }
0x2e: {  	s3 =	simm.s32 @!p0 $0x1082;
	s9 =	sld [smem:$0x3FB4]  }
0x2f: {  	lr =	sadd.s32 s0, s3;
	s0 =	sld [smem:$0x3FAB]  }
0x30: {  	s3 =	sld [smem:$0x3FAE]  }
0x31: {  	[smem:$0x3FB7] =	sst s10  }
0x32: {  	s10 =	sld [smem:$0x3FB5];
	_ =	sdelay $0x3  }
0x33: {  	p0 =	seq.s32 s10, $0x1;
	s10 =	sld [smem:$0x3FB7];
	_ =	sdelay $0x3  }
0x34: {  	[smem:$0x3FB7] =	sst s10  }
0x35: {  	s10 =	sld [smem:$0x3FB6];
	_ =	sdelay $0x3  }
0x36: {  	p1 =	seq.s32 s10, $0x1;
	s10 =	sld [smem:$0x3FB7];
	_ =	sdelay $0x3  }
0x37: {  	[smem:$0x3FB7] =	sst s10  }
0x38: {  	s10 =	sld [smem:$0x3FB8]  }
0x39: {  	_ = 	snop;
	(pc) =	sbr.ind lr, $3  }
0x3a: {  	_ = 	snop  }
0x3b: {  	_ = 	snop  }
0x3c: {  	p2 =	seq.s32 s10, $0x1;
	s10 =	sld [smem:$0x3FB7]  }
0x3d: {  	_ =	shalt  }
0x3e: {  	_ =	shalt  }
0x3f: {  	_ =	shalt  }
0x40: {  	_ =	shalt  }
0x41: {  	_ =	shalt  }
0x42: {  	_ =	shalt  }
0x43: {  	_ =	shalt  }
0x44: {  	_ =	shalt  }
0x45: {  	_ =	shalt  }
0x46: {  	_ =	shalt  }
0x47: {  	_ =	shalt  }
0x48: {  	_ =	shalt  }
0x49: {  	_ =	shalt  }
0x4a: {  	_ =	shalt  }
0x4b: {  	_ =	shalt  }
0x4c: {  	_ =	shalt  }
0x4d: {  	_ =	shalt  }
0x4e: {  	_ =	shalt  }
0x4f: {  	_ =	shalt  }
0x50: {  	_ =	shalt  }
0x51: {  	_ =	shalt  }
0x52: {  	_ =	shalt  }
0x53: {  	_ =	shalt  }
0x54: {  	_ =	shalt  }
0x55: {  	_ =	shalt  }
0x56: {  	_ =	shalt  }
0x57: {  	_ =	shalt  }
0x58: {  	_ =	shalt  }
0x59: {  	_ =	shalt  }
0x5a: {  	_ =	shalt  }
0x5b: {  	_ =	shalt  }
0x5c: {  	_ =	shalt  }
0x5d: {  	_ =	shalt  }
0x5e: {  	_ =	shalt  }
0x5f: {  	_ =	shalt  }
0x60: {  	_ =	shalt  }
0x61: {  	_ =	shalt  }
0x62: {  	_ =	shalt  }
0x63: {  	_ =	shalt  }
0x64: {  	_ =	shalt  }
0x65: {  	_ =	shalt  }
0x66: {  	_ =	shalt  }
0x67: {  	_ =	shalt  }
0x68: {  	_ =	shalt  }
0x69: {  	_ =	shalt  }
0x6a: {  	_ =	shalt  }
0x6b: {  	_ =	shalt  }
0x6c: {  	_ =	shalt  }
0x6d: {  	_ =	shalt  }
0x6e: {  	_ =	shalt  }
0x6f: {  	_ =	shalt  }
0x70: {  	_ =	shalt  }
0x71: {  	_ =	shalt  }
0x72: {  	_ =	shalt  }
0x73: {  	_ =	shalt  }
0x74: {  	_ =	shalt  }
0x75: {  	_ =	shalt  }
0x76: {  	_ =	shalt  }
0x77: {  	_ =	shalt  }
0x78: {  	_ =	shalt  }
0x79: {  	_ =	shalt  }
0x7a: {  	_ =	shalt  }
0x7b: {  	_ =	shalt  }
0x7c: {  	_ =	shalt  }
0x7d: {  	_ =	shalt  }
0x7e: {  	_ =	shalt  }
0x7f: {  	_ =	shalt  }
0x80: {  	_ =	shalt  }
0x81: {  	_ =	shalt  }
0x82: {  	_ =	shalt  }
0x83: {  	_ =	shalt  }
0x84: {  	_ =	shalt  }
0x85: {  	_ =	shalt  }
0x86: {  	_ =	shalt  }
0x87: {  	_ =	shalt  }
.Lfunc_end0:
.L_simem_size_0:
called_computation.1_lowered:
.L_overlay_start_0:
0x88: {  	s2 =	sld [smem:$0x3FD9]  }
0x89: {  	s3 =	sld [smem:$0x3FFE];
	_ =	sdelay $0x1  }
0x8a: {  	s1 =	srdreg.scid  }
0x8b: {  	s0 =	sand.u32 $0x1, s1  }
0x8c: {  	s17 =	sshll.u32 s0, $0xA;
	s2 =	sadd.s32 s3, s2  }
0x8d: {  	s2 =	sadd.s32 s2, s17  }
0x8e: {  	[smem:$0x3FC3] =	sst s2  }
0x8f: {  	_ = 	snop  }
0x90: {  	s2 =	sld [smem:$0x3FD0];
	(tm) =	ssettm $0x1  }
0x91: {  	s18 =	sld [smem:$0x3FFB];
	_ =	sdelay $0x3  }
0x92: {  	_ =	strace s18  }
0x93: {  	s3 =	sld [smem:$0x3FFC];
	_ =	sdelay $0x3  }
0x94: {  	_ =	strace s3  }
0x95: {  	s3 =	sld [smem:$0x3FFD];
	_ =	sdelay $0x3  }
0x96: {  	_ =	strace s3  }
0x97: {  	_ =	strace $0x8FFFFFFF  }
0x98: {  	s19 =	sld [smem:$0x3FDB];
	_ =	sdelay $0x1  }
0x99: {  	s4 =	simm.s32 $_scs_section_size  }
0x9a: {  	s5 =	simm.s32 $_size__tile_overlayer_lowered;
	s6 =	simm.s32 $_tile_overlayer_lowered  }
0x9b: {  	s22 =	simm.s32 $0x1BFF;
	s21 =	sshll.u32 s6, $0x1;
	s3 =	sadd.s32 s4, s19  }
0x9c: {  	s7 =	simm.s32 $0x0;
	s20 =	sshll.u32 s5, $0x1;
	s5 =	sadd.s32 s21, s3  }
0x9d: {  	[timem:s7], [sflag:s22] =	dma.local [hbm:s5], s20  }
0x9e: {  	_ =	swait.ge [sflag:s22], s20  }
0x9f: {  	s4 =	ssub.s32 $0x0, s20;
	[sflag:s22] =	ssyncset.done $0x0  }
0xa0: {  	[sflag:s22] =	ssyncadd.s32 s4;
	_ =	sdelay $0x1  }
0xa1: {  	s23 =	simm.s32 $0x1B8B  }
0xa2: {  	_ =	swait.ge [sflag:s23], $0x1  }
0xa3: {  	[sflag:s23] =	ssyncset.done $0x0  }
0xa4: {  	s25 =	simm.s32 $0x1B8E;
	s24 =	sld [smem:$0x3FFE];
	[sflag:s23] =	ssyncadd.s32 $0xFFFFFFFF  }
0xa5: {  	s26 =	simm.s32 $execute0_lowered;
	[smem:$0x3FD2] =	sst s25  }
0xa6: {  	s5 =	sshll.u32 s26, $0x1;
	_ =	strace $0x80000049;
	[dreg:$0x1] =	wrdreg $0xFFFFFFFF  }
0xa7: {  	s28 =	simm.s32 $_size_execute0_lowered;
	s3 =	sadd.s32 s3, s5;
	[dreg:$0x0] =	wrdreg $0x0  }
0xa8: {  	s5 =	sshll.u32 s28, $0x1;
	[dreg:$0x2] =	wrdreg s3  }
0xa9: {  	[dreg:$0x3] =	wrdreg s5  }
0xaa: {  	[dreg:$0x4] =	wrdreg $0xC0  }
0xab: {  	_ =	task [dreg:s7], $0x5FFFF  }
0xac: {  	[dreg:$0x1] =	wrdreg $0xFFFFFFFF  }
0xad: {  	[dreg:$0x0] =	wrdreg $0x60  }
0xae: {  	[dreg:$0x2] =	wrdreg s24  }
0xaf: {  	[dreg:$0x3] =	wrdreg s2  }
0xb0: {  	[dreg:$0x4] =	wrdreg $0x9  }
0xb1: {  	_ =	task.clear_ibuf [dreg:s7], $0x5FFFF;
	_ =	strace $0x90000049  }
0xb2: {  	s29 =	simm.s32 $0x9;
	_ =	strace $0x8000004B  }
0xb3: {  	_ =	swait.ge [sflag:s29], $0x1  }
0xb4: {  	[sflag:s29] =	ssyncadd.s32 $0xFFFFFFFF  }
0xb5: {  	_ =	strace $0x9000004B  }
0xb6: {  	_ =	sfence  }
0xb7: {  	s30 =	sld [smem:$0x0];
	_ =	sdelay $0x2  }
0xb8: {  	s31 =	sshll.u32 s1, $0xD;
	s1 =	sshrl.u32 s1, $0x2  }
0xb9: {  	s3 =	sand.u32 $0x4000, s31;
	s1 =	sadd.s32 s1, s30  }
0xba: {  	s0 =	sor.u32 s3, s0;
	s1 =	sshll.u32 s1, $0x11  }
0xbb: {  	s0 =	sor.u32 s1, s0  }
0xbc: {  	s0 =	sadd.s32 $0x8F2B, s0  }
0xbd: {  	[sflag:s0] =	ssyncadd.remote.s32 $0x1  }
0xbe: {  	_ =	sfence.sel $0xFFFF  }
0xbf: {  	[dreg:$0x0] =	wrdreg $0xFFFFFFFF;
	(pc) =	sbr.abs _section_cstart, $3  }
0xc0: {  	[dreg:$0x1] =	wrdreg $0xFFFFFFFF  }
0xc1: {  	_ =	task.clear_ibuf [dreg:s7], $0x2FFFF;
	_ =	strace $0x9FFFFFFF  }
0xc2: {  	(tm) =	ssettm $0x7FFFFFFF  }
0xc3: {  	_ =	shalt  }
tec
execute0_lowered:
.L_overlay_start_1:
0x0: {  	(tag) =	ssettag $0x1  }
0x1: {  	s11 =	rddreg [dreg:$0x0]  }
0x2: {  	s9 =	rddreg [dreg:$0x1]  }
0x3: {  	s0 =	rddreg [dreg:$0x2];
	s2 =	simm.s32 $0x0;
	s1 =	stileid.u32  }
0x4: {  	s4 =	srdreg.scid;
	s16 =	simm.s32 $0x14D00;
	s17 =	simm.s32 $0x2A00  }
0x5: {  	s18 =	simm.s32 $0x7B80;
	s20 =	simm.s32 $0x1;
	s21 =	simm.s32 $0x12380  }
0x6: {  	s23 =	simm.s32 $0x400;
	s24 =	simm.s32 $0x0;
	[smem:$0x7FF] =	sst s2  }
0x7: {  	s3 =	smul.u32 $0x2A00, s1;
	s8 =	sand.u32 $0x1, s4;
	s4 =	sadd.s32 $0xBED8200, s11  }
0x8: {  	s10 =	sshll.u32 s1, $0x7;
	_ =	strace $0x8000004A;
	s5 =	sshll.u32 s8, $0x4  }
0x9: {  	s10 =	sand.u32 $0x380, s10;
	s13 =	ssub.s32 $0x2, s8;
	s19 =	smul.u32 $0x2FAF080, s8  }
0xa: {  	p0 =	seq.s32 s8, $0x1;
	s6 =	sshrl.u32 s3, $0x3;
	s5 =	sor.u32 s1, s5  }
0xb: {  	s14 =	sshrl.u32 s13, $0x1;
	s7 =	sadd.s32 s6, s11;
	s31 =	sshrl.u32 s5, $0x3  }
0xc: {  	s5 =	sadd.s32 $0xBED8000, s11;
	s13 =	ssub.s32 s13, s14;
	s22 =	sadd.s32 $0x2FAF080, s19  }
0xd: {  	s14 =	simm.s32 $0x5F71E00;
	v0 =	vmov s19;
	s19 =	simm.s32 $0xF980;
	s12 =	sshll.u32 s31, $0xA  }
0xe: {  	s15 =	smul.u32 $0x14000, s31;
	s6 =	sadd.s32 $0x1400, s7;
	s7 =	sadd.s32 $0x6800, s7  }
0xf: {  	s14 =	simm.s32 @!p0 $0xBC00;
	v1 =	vmov s22;
	s22 =	simm.s32 $0x80;
	s12 =	sor.u32 s10, s12  }
0x10: {  	s12 =	sshrl.u32 s12, $0x3;
	s10 =	sor.u32 s10, s15;
	s15 =	simm.s32 $0x5180  }
0x11: {  	s12 =	sadd.s32 s12, s11;
	s10 =	sshrl.u32 s10, $0x3;
	s11 =	sadd.s32 s14, s11  }
0x12: {  	s14 =	simm.s32 $0x2780;
	s8 =	sadd.s32 $0xBED8800, s12;
	s9 =	sadd.s32 s9, s10  }
0x13: {  	v2 =	vlaneseq.u32;
	v3 =	vimm.f32 $0.0e+00;
	s10 =	smax.u32 s13, $0x1;
	s12 =	simm.s32 $0x2;
	s13 =	simm.s32 $0x14B80  }
.LBB2_1:
0x14: {  	[tilespmem:s2], [sflag:$0x2] =	stream.linear.gather [hbm4b:s4+s2], $0x2780, $0x38;
	[tilespmem:$0x14D80] =	vst v63  }
0x15: {  	_ =	swait.ge [sflag:s12], $0x2780  }
0x16: {  	[sflag:s12] =	ssyncset.done $0x0  }
0x17: {  	[sflag:s12] =	ssyncadd.s32 $0xFFFFD880  }
0x18: {  	[tilespmem:s13], [sflag:$0x2] =	stream.linear.gather [hbm4b:s5+s2], $0x180, $0x38;
	[tilespmem:$0x14D80] =	vst v63  }
0x19: {  	_ =	swait.ge [sflag:s12], $0x180  }
0x1a: {  	[sflag:s12] =	ssyncset.done $0x0  }
0x1b: {  	[sflag:s12] =	ssyncadd.s32 $0xFFFFFE80  }
0x1c: {  	[tilespmem:s14], [sflag:$0x2] =	stream.linear.gather [hbm4b:s6+s2], $0x2A00, $0x38;
	[tilespmem:$0x14D80] =	vst v63  }
0x1d: {  	_ =	swait.ge [sflag:s12], $0x2A00  }
0x1e: {  	[sflag:s12] =	ssyncset.done $0x0  }
0x1f: {  	[sflag:s12] =	ssyncadd.s32 $0xFFFFD600  }
0x20: {  	[tilespmem:s15], [sflag:$0x2] =	stream.linear.gather [hbm4b:s7+s2], $0x2A00, $0x38;
	[tilespmem:$0x14D80] =	vst v63  }
0x21: {  	_ =	swait.ge [sflag:s12], $0x2A00  }
0x22: {  	[sflag:s12] =	ssyncset.done $0x0  }
0x23: {  	[sflag:s12] =	ssyncadd.s32 $0xFFFFD600  }
0x24: {  	v4 =	vld [tilespmem:$0x14B80]  }
0x25: {  	v5 =	vld [tilespmem:$0x14C00]  }
0x26: {  	v6 =	vld [tilespmem:$0x14C80]  }
0x27: {  	v7 =	vld [tilespmem:$0x14B90]  }
0x28: {  	v8 =	vld [tilespmem:$0x14C10]  }
0x29: {  	v9 =	vld [tilespmem:$0x14C90]  }
0x2a: {  	v10 =	vld [tilespmem:$0x14BA0]  }
0x2b: {  	v11 =	vld [tilespmem:$0x14C20]  }
0x2c: {  	v12 =	vld [tilespmem:$0x14CA0]  }
0x2d: {  	v13 =	vld [tilespmem:$0x14BB0]  }
0x2e: {  	v14 =	vld [tilespmem:$0x14C30]  }
0x2f: {  	v15 =	vld [tilespmem:$0x14CB0]  }
0x30: {  	v16 =	vld [tilespmem:$0x14BC0]  }
0x31: {  	v17 =	vld [tilespmem:$0x14C40]  }
0x32: {  	v18 =	vld [tilespmem:$0x14CC0];
	v5 =	vmul.f32 v5, v4  }
0x33: {  	v19 =	vld [tilespmem:$0x14C50];
	v4 =	vmul.f32 v6, v4  }
0x34: {  	v58 =	vld [tilespmem:$0x14CE0];
	v8 =	vmul.f32 v8, v7;
	v5 =	vadd.f32 $0.0e+00, v5  }
0x35: {  	v59 =	vld [tilespmem:$0x14BF0];
	v7 =	vmul.f32 v9, v7;
	v4 =	vadd.f32 $0.0e+00, v4  }
0x36: {  	v6 =	vld [tilespmem:$0x14BD0];
	v5 =	vadd.f32 v8, v5;
	v8 =	vmul.f32 v11, v10  }
0x37: {  	v9 =	vld [tilespmem:$0x14CD0];
	v4 =	vadd.f32 v7, v4;
	v7 =	vmul.f32 v12, v10  }
0x38: {  	v11 =	vld [tilespmem:$0x14BE0];
	v5 =	vadd.f32 v8, v5;
	v8 =	vmul.f32 v14, v13  }
0x39: {  	v10 =	vld [tilespmem:$0x14C60];
	v4 =	vadd.f32 v7, v4;
	v7 =	vmul.f32 v15, v13  }
0x3a: {  	v60 =	vld [tilespmem:$0x14C70];
	v5 =	vadd.f32 v8, v5;
	v8 =	vmul.f32 v17, v16  }
0x3b: {  	s25 =	simm.s32 $0x0;
	v61 =	vld [tilespmem:$0x14CF0];
	v4 =	vadd.f32 v7, v4;
	v7 =	vmul.f32 v18, v16  }
0x3c: {  	v62 =	vld [tilespmem:s25+$0x2780];
	v5 =	vadd.f32 v8, v5;
	v8 =	vmul.f32 v19, v6  }
0x3d: {  	v4 =	vadd.f32 v7, v4;
	v6 =	vmul.f32 v9, v6  }
0x3e: {  	v7 =	vmul.f32 v10, v11;
	v5 =	vadd.f32 v8, v5;
	v8 =	vld [tilespmem:s25+$0x5180]  }
0x3f: {  	v4 =	vadd.f32 v6, v4;
	v6 =	vmul.f32 v58, v11  }
0x40: {  	v5 =	vadd.f32 v7, v5;
	v7 =	vmul.f32 v60, v59  }
0x41: {  	v9 =	vmul.u32 $0x2710, v62;
	v4 =	vadd.f32 v6, v4;
	v6 =	vmul.f32 v61, v59  }
0x42: {  	v5 =	vadd.f32 v7, v5  }
0x43: {  	v4 =	vadd.f32 v6, v4;
	v6 =	vmov s3;
	v7 =	vadd.s32 v8, v9  }
0x44: {  	v9 =	vor.u32 s3, v2;
	vm1 =	vge.s32 v7, v0;
	vm2 =	vlt.s32 v7, v1;
	(xrf2) =	vadd.scan.msk.f32 $0xffff, v5  }
0x45: {  	vm0 =	vlt.u32 v6, $0x29810;
	v5 =	vand.u32 $0x3FFF, v9;
	vm1 =	vmand vm1, vm2;
	(xrf2) =	vadd.scan.msk.f32 $0xffff, v4  }
0x46: {  	v4 =	vadd.s32 $0x2FAF080, v5;
	v5 =	vsub.s32 v7, v0;
	vm1 =	vmand vm0, vm1  }
0x47: {  	v4 =	vsel vm1, v5, v4  }
0x48: {  	[tilespmem:s25+$0xA580] =	vst v9;
	v4 =	vshll.u32 v4, $0x4  }
0x49: {  	s26 =	simm.s32 $0x10;
	[tilespmem:s25+$0x7B80] =	vst v4  }
0x4a: {  	v5 =	vld [tilespmem:s26+$0x2780]  }
0x4b: {  	v4 =	vld [tilespmem:s26+$0x5180]  }
0x4c: {  	v9 =	vld.idx.msk [tilespmem:v62+s2+$0x0], $0xffff  }
0x4d: {  	v8 =	vld.idx.msk [tilespmem:v8+s2+$0x0], $0xffff  }
0x4e: {  	v6, _, _ =	vpop (xrf2)  }
0x4f: {  	v7, _, _ =	vpop (xrf2)  }
0x50: {  	s28 =	sadd.s32 $0x10, s3;
	v6 =	vbroadcast v6, $0xF;
	v10 =	vmul.u32 $0x2710, v5;
	v7 =	vbroadcast v7, $0xF  }
0x51: {  	v63 =	vor.u32 s28, v2;
	v11 =	vmov s28  }
0x52: {  	v10 =	vadd.s32 v4, v10;
	v9 =	vmul.f32 v9, v6;
	v8 =	vmul.f32 v8, v7  }
0x53: {  	vm2 =	vlt.u32 v11, $0x29810;
	vm1 =	vge.s32 v10, v0;
	vm3 =	vlt.s32 v10, v1  }
0x54: {  	v11 =	vand.u32 $0x3FFF, v63;
	vm1 =	vmand vm1, vm3;
	v8 =	vadd.f32 v8, v9  }
0x55: {  	v10 =	vsub.s32 v10, v0;
	vm1 =	vmand vm2, vm1;
	v9 =	vadd.s32 $0x2FAF080, v11  }
0x56: {  	v9 =	vsel vm1, v10, v9;
	v10 =	vmul.f32 $9.999999770e-03, v8  }
0x57: {  	vm0 =	vmmov vm0  }
0x58: {  	[tilespmem:s26+$0xA580] =	vst v63;
	vm1 =	vmmov vm0;
	v9 =	vshll.u32 v9, $0x4;
	v8 =	vmax.f32 v8, v10  }
0x59: {  	s29 =	simm.s32 $0x80;
	vm0 =	vmmov vm2;
	[tilespmem:s26+$0x7B80] =	vst v9;
	v9 =	vmul.f32 $1.442695020e+00, v8;
	v8 =	vimm.f32 $0.0e+00  }
.LBB2_2:
0x5a: {  	p0 =	sne.s32 s29, $0xA7C0  }
0x5b: {  	s30 =	sshra.s32 s29, $0x2;
	(erf) = vpow2.f32 v9  }
0x5c: {  	v9 =	vld [tilespmem:s30+$0x2780];
	_ =	sdelay $0x1  }
0x5d: {  	v10 =	vld [tilespmem:s30+$0x5180];
	_ =	sdelay $0x2  }
0x5e: {  	v11 =	vmul.u32 $0x2710, v9  }
0x5f: {  	s28 =	sadd.s32 $0x10, s28  }
0x60: {  	v14 =	vmov s28;
	v13 =	vor.u32 s28, v2;
	v11 =	vadd.s32 v10, v11  }
0x61: {  	vm2 =	vlt.u32 v14, $0x29810;
	vm3 =	vge.s32 v11, v0;
	vm4 =	vlt.s32 v11, v1;
	v12 =	vpop (erf)  }
0x62: {  	v14 =	vand.u32 $0x3FFF, v13;
	vm3 =	vmand vm3, vm4;
	v12 =	vnsel vm1, $0x0, v12  }
0x63: {  	v14 =	vadd.s32 $0x2FAF080, v14;
	v11 =	vsub.s32 v11, v0;
	vm1 =	vmand vm2, vm3;
	[tilespmem:s25+$0xCF80] =	vst v12;
	s25 =	smov.u32 s26;
	s26 =	smov.u32 s30  }
0x64: {  	v8 =	vadd.f32 v12, v8;
	v11 =	vsel vm1, v11, v14;
	v14 =	vld.idx.msk [tilespmem:v5+s2+$0x0], $0xffff;
	v5 =	vmovc v9;
	vm1 =	vmmov vm0  }
0x65: {  	vm0 =	vmmov vm2;
	v9 =	vshll.u32 v11, $0x4;
	v11 =	vld.idx.msk [tilespmem:v4+s2+$0x0], $0xffff;
	v4 =	vmov v10  }
0x66: {  	[tilespmem:s26+$0x7B80] =	vst v9  }
0x67: {  	[tilespmem:s26+$0xA580] =	vst v13;
	_ =	sdelay $0x3  }
0x68: {  	v9 =	vmul.f32 v14, v6;
	v10 =	vmul.f32 v11, v7;
	_ =	sdelay $0x1  }
0x69: {  	v9 =	vadd.f32 v10, v9  }
.Ltmp0:
0x6a: {  	(pc) =	sbr.rel @p0 .LBB2_2-.Ltmp0, $3  }
0x6b: {  	v10 =	vmul.f32 $9.999999770e-03, v9;
	_ =	sdelay $0x1  }
0x6c: {  	v9 =	vmax.f32 v9, v10  }
0x6d: {  	s29 =	sadd.s32 $0x40, s29;
	v9 =	vmul.f32 $1.442695020e+00, v9  }
0x6e: {  	_ = 	snop  }
0x6f: {  	(erf) = vpow2.f32 v9;
	_ =	sdelay $0x8  }
0x70: {  	v9 =	vpop (erf)  }
0x71: {  	v9 =	vnsel vm1, $0x0, v9  }
0x72: {  	[tilespmem:s25+$0xCF80] =	vst v9  }
0x73: {  	v5 =	vld.idx.msk [tilespmem:v5+s2+$0x0], $0xffff  }
0x74: {  	v4 =	vld.idx.msk [tilespmem:v4+s2+$0x0], $0xffff;
	_ =	sdelay $0x4  }
0x75: {  	v5 =	vmul.f32 v5, v6;
	v4 =	vmul.f32 v4, v7;
	_ =	sdelay $0x1  }
0x76: {  	v4 =	vadd.f32 v4, v5;
	_ =	sdelay $0x1  }
0x77: {  	v5 =	vmul.f32 $9.999999770e-03, v4;
	_ =	sdelay $0x1  }
0x78: {  	v4 =	vmax.f32 v4, v5  }
0x79: {  	v4 =	vmul.f32 $1.442695020e+00, v4;
	_ =	sdelay $0x1  }
0x7a: {  	(erf) = vpow2.f32 v4;
	_ =	sdelay $0x8  }
0x7b: {  	vm0 =	vmmov vm0;
	v4 =	vadd.f32 v9, v8;
	v5 =	vpop (erf)  }
0x7c: {  	v5 =	vnsel vm0, $0x0, v5  }
0x7d: {  	v4 =	vadd.f32 v5, v4  }
0x7e: {  	[tilespmem:s26+$0xCF80] =	vst v5  }
0x7f: {  	s31 =	simm.s32 $0x0;
	[tilespmem:$0x14D00] =	vst v4  }
0x80: {  	[hbm4b:s8+s31] =	stream.linear.scatter [tilespmem:s16], [sflag:$0x2], $0x80, $0x38;
	[tilespmem:$0x14D80] =	vst v63  }
0x81: {  	_ =	swait.ge [sflag:s12], $0x80  }
0x82: {  	[sflag:s12] =	ssyncset.done $0x0  }
0x83: {  	[sflag:s12] =	ssyncadd.s32 $0xFFFFFF80  }
0x84: {  	[tilespmem:s19], [sflag:$0x1] =	stream.indirect.gather [hbm4b:s11+s17], $0x1, s18, s17, $0xb8;
	[tilespmem:$0x14D80] =	vst v63  }
0x85: {  	_ =	swait.ge [sflag:s20], $0x2A00  }
0x86: {  	[sflag:s20] =	ssyncset.done $0x0  }
0x87: {  	s25 =	simm.s32 $0x40;
	s26 =	simm.s32 $0x0;
	[sflag:s20] =	ssyncadd.s32 $0xFFFFD600  }
.LBB2_4:
0x88: {  	p0 =	sne.s32 s25, $0x9FC0;
	[tilespmem:s26+$0x12380] =	vst v3;
	s26 =	smov.u32 s25;
	s25 =	sadd.s32 $0x40, s25  }
.Ltmp1:
0x89: {  	(pc) =	sbr.rel @p0 .LBB2_4-.Ltmp1, $2  }
0x8a: {  	_ =	sdelay $0x2  }
0x8b: {  	s26 =	sshra.s32 s26, $0x2  }
0x8c: {  	[tilespmem:s26+$0x12380] =	vst v3;
	s25 =	simm.s32 $0x0;
	s26 =	simm.s32 $0x40  }
.LBB2_6:
0x8d: {  	p0 =	sne.s32 s26, $0xA7C0;
	v4 =	vld [tilespmem:s25+$0x5180];
	_ =	sdelay $0x1  }
0x8e: {  	v5 =	vld [tilespmem:s25+$0x7B80]  }
0x8f: {  	v6 =	vld [tilespmem:s25+$0xA580]  }
0x90: {  	v7 =	vld [tilespmem:s25+$0xF980];
	_ =	sdelay $0x2  }
0x91: {  	v8 =	vld [tilespmem:s25+$0x2780]  }
0x92: {  	v4 =	vld.idx.msk [tilespmem:v4+s2+$0x0], $0xffff  }
0x93: {  	vm0 =	vlt.s32 v5, $0x2FAF0800;
	vm1 =	veq.s32 v7, v6;
	v5 =	vld [tilespmem:s25+$0xCF80]  }
0x94: {  	vm0 =	vmand vm0, vm1;
	_ =	sdelay $0x1  }
.Ltmp2:
0x95: {  	(pc) =	sbr.rel @p0 .LBB2_6-.Ltmp2, $3  }
0x96: {  	_ = 	snop  }
0x97: {  	v4 =	vmul.f32 v4, v5;
	_ =	sdelay $0x1  }
0x98: {  	s25 =	sshra.s32 s26, $0x2;
	s26 =	sadd.s32 $0x40, s26;
	[tilespmem:v8+s21+$0x0] =	vst.idx.add.f32.msk vm0, v4  }
0x99: {  	v4 =	vld [tilespmem:s25+$0x5180]  }
0x9a: {  	v5 =	vld [tilespmem:s25+$0x7B80]  }
0x9b: {  	v6 =	vld [tilespmem:s25+$0xA580]  }
0x9c: {  	v7 =	vld [tilespmem:s25+$0xF980];
	_ =	sdelay $0x2  }
0x9d: {  	v8 =	vld [tilespmem:s25+$0x2780]  }
0x9e: {  	vm0 =	vlt.s32 v5, $0x2FAF0800;
	v5 =	vld [tilespmem:s25+$0xCF80]  }
0x9f: {  	vm1 =	veq.s32 v7, v6;
	v4 =	vld.idx.msk [tilespmem:v4+s2+$0x0], $0xffff  }
0xa0: {  	vm0 =	vmand vm0, vm1;
	_ =	sdelay $0x3  }
0xa1: {  	s24 =	sadd.s32 $0x1, s24;
	v4 =	vmul.f32 v4, v5  }
0xa2: {  	p0 =	sne.s32 s24, s10  }
.Ltmp3:
0xa3: {  	[tilespmem:v8+s21+$0x0] =	vst.idx.add.f32.msk vm0, v4;
	(pc) =	sbr.rel @p0 .LBB2_1-.Ltmp3, $4  }
0xa4: {  	[hbm4b:s9+s22] =	stream.strided.scatter [tilespmem:s21], [sflag:$0x2], $0x2800, s23, s22, $0x38;
	[tilespmem:$0x14D80] =	vst v63  }
0xa5: {  	_ =	swait.ge [sflag:s12], $0x2800  }
0xa6: {  	[sflag:s12] =	ssyncset.done $0x0  }
0xa7: {  	[sflag:s12] =	ssyncadd.s32 $0xFFFFD800  }
0xa8: {  	_ =	sfence.sel $0x180000  }
0xa9: {  	[bflag:$0x0] =	sbarrier.arrive $0xFFFF  }
0xaa: {  	p0 =	sne.s32 s1, $0x0;
	_ =	strace $0x9000004A  }
0xab: {  	s0 =	sadd.s32 @!p0 $0x100000, s0;
	[bflag:$0x2] =	sbarrier.arrive $0xFFFF  }
0xac: {  	[sflag:s0] =	ssyncadd.tile.s32 @!p0 $0x1;
	_ =	shalt  }
.Lfunc_end2:
_tile_overlayer_lowered:
.L_overlay_start_2:
0xad: {  	(tag) =	ssettag $0x2  }
0xae: {  	s0 =	rddreg [dreg:$0x0];
	s2 =	stileid.u32  }
0xaf: {  	s1 =	rddreg [dreg:$0x1];
	p0 =	sne.s32 s2, $0x0  }
0xb0: {  	s3 =	rddreg [dreg:$0x2];
	[bflag:$0x3] =	sbarrier.arrive $0xFFFF;
	s2 =	simm.s32 @!p0 $0x1C02  }
0xb1: {  	[timem:s3], [sflag:s2] =	dma.local @!p0 [hbm:s0], s1  }
0xb2: {  	s0 =	simm.s32 @!p0 $0x2  }
0xb3: {  	_ =	swait.ge @!p0 [sflag:s0], s1  }
0xb4: {  	s1 =	ssub.s32 @!p0 $0x0, s1;
	[sflag:s0] =	ssyncset.done @!p0 $0x0  }
0xb5: {  	[sflag:s0] =	ssyncadd.s32 @!p0 s1  }
0xb6: {  	[bflag:$0x3] =	sbarrier.arrive $0xFFFF  }
0xb7: {  	_ =	shalt  }

</sc_bundles>
